<compile_context>
chip_gen: v7x
topology: tpu7x:2x2x1
jax: 0.10.2.dev20260603
libtpu: 0.0.44.dev20260713+nightly
codegen_flags: <defaults>
</compile_context>

<pallas_src>
import functools

import jax
import jax.numpy as jnp
from jax import lax
from jax.experimental import pallas as pl
from jax.experimental.pallas import tpu as pltpu
from jax.experimental.pallas import tpu_sc as plsc

_NC = 2
_NS = 16
_NW = _NC * _NS
_CHUNK = 16384
_NBUF = 4


def _sc_copy(n_total: int):
    per_w = n_total // _NW
    n_chunks = per_w // _CHUNK
    mesh = plsc.VectorSubcoreMesh(core_axis_name="c", subcore_axis_name="s")

    @functools.partial(
        pl.kernel,
        mesh=mesh,
        out_type=jax.ShapeDtypeStruct((n_total,), jnp.float32),
        scratch_types=[
            pltpu.VMEM((_NBUF, _CHUNK), jnp.float32),
            pltpu.SemaphoreType.DMA((n_chunks,)),
            pltpu.SemaphoreType.DMA((n_chunks,)),
        ],
    )
    def k(w_hbm, out_hbm, buf, in_sems, out_sems):
        wid = lax.axis_index("s") * _NC + lax.axis_index("c")
        base = wid * per_w

        def start_in(j):
            off = base + j * _CHUNK
            return pltpu.async_copy(
                w_hbm.at[pl.ds(off, _CHUNK)], buf.at[j % _NBUF], in_sems.at[j]
            )

        def start_out(j):
            off = base + j * _CHUNK
            return pltpu.async_copy(
                buf.at[j % _NBUF], out_hbm.at[pl.ds(off, _CHUNK)], out_sems.at[j]
            )

        ins = [None] * n_chunks
        outs = [None] * n_chunks
        for j in range(min(_NBUF, n_chunks)):
            ins[j] = start_in(j)
        for j in range(n_chunks):
            ins[j].wait()
            outs[j] = start_out(j)
            nxt = j + _NBUF
            if nxt < n_chunks:
                outs[nxt - _NBUF].wait()
                ins[nxt] = start_in(nxt)
        for j in range(max(0, n_chunks - _NBUF), n_chunks):
            if outs[j] is not None:
                outs[j].wait()

    return k


def kernel(x, weight):
    seq_len = x.shape[1]
    d_model = weight.shape[2]
    n_total = seq_len * d_model
    flat = weight.reshape(-1)
    out = _sc_copy(n_total)(flat)
    return out.reshape(1, seq_len, d_model)

# --- scband reference (transcript-rebuilt; emitter-appended) ---
"""Pipeline reference for scband-learnable-positional-embedding-77163382440914 (READ-ONLY COPY).

The authoritative reference and input builder live on the scoring server;
editing this copy changes nothing except your own understanding.
"""

import jax, jax.numpy as jnp
import numpy as np

D_MODEL = 1024
MAX_LEN = 8192

def setup_inputs(seed: int = 0) -> dict:
    key = jax.random.key(seed)
    k_x, k_w = jax.random.split(key)
    x = jax.random.normal(k_x, (4, 4096, D_MODEL), dtype=jnp.float32)
    weight = 0.1 * jax.random.normal(k_w, (1, MAX_LEN, D_MODEL), dtype=jnp.float32)
    return {"x": x, "weight": weight}

def reference(x, weight):
    # Faithful translation: return the learnable positional table sliced
    # to the sequence length of x: weight[:, :x.size(1), :]
    return weight[:, :x.shape[1], :]

if __name__ == "__main__":
    import jax
    _d = setup_inputs()
    print(jax.jit(kernel)(*tuple(_d.values())))

</pallas_src>

<mosaic_0001>
#map = affine_map<(d0, d1) -> (0)>
module attributes {stable_mosaic.version = 14 : i64} {
  func.func @k(%arg0: i32, %arg1: i32, %arg2: memref<8388608xf32, #tpu.memory_space<hbm>>, %arg3: memref<4194304xf32, #tpu.memory_space<hbm>>, %arg4: memref<4x16384xf32, #tpu.memory_space<vmem>>, %arg5: memref<8x!tpu.dma_semaphore, #tpu.memory_space<semaphore_mem>>, %arg6: memref<8x!tpu.dma_semaphore, #tpu.memory_space<semaphore_mem>>) attributes {dimension_semantics = [#tpu.dimension_semantics<core_parallel>, #tpu.dimension_semantics<subcore_parallel>], iteration_bounds = array<i64: 2, 16>, scalar_prefetch = 0 : i64, scratch_operands = 3 : i64, tpu.core_type = #tpu.core_type<sc_vector_subcore>, window_params = [{transform_indices = #map}, {transform_indices = #map}]} {
    %mul3A = arith.constant 2 : i32
    %mul3A_0 = arith.muli %arg1, %mul3A : i32
    %add3A = arith.addi %mul3A_0, %arg0 : i32
    %mul3A_1 = arith.constant 131072 : i32
    %mul3A_2 = arith.muli %add3A, %mul3A_1 : i32
    %add3A_3 = arith.constant 0 : i32
    %add3A_4 = arith.addi %mul3A_2, %add3A_3 : i32
    %dma_start3A = arith.constant 0 : i32
    %dma_start3A_5 = arith.constant 0 : i32
    %dma_start3A_6 = arith.constant 0 : i32
    %dma_start3A_7 = tpu.memref_slice %arg4[%dma_start3A, %dma_start3A_6] : memref<4x16384xf32, #tpu.memory_space<vmem>> -> memref<1x16384xf32, #tpu.memory_space<vmem>>
    %dma_start3A_8 = tpu.memref_squeeze %dma_start3A_7 : memref<1x16384xf32, #tpu.memory_space<vmem>> -> memref<16384xf32, #tpu.memory_space<vmem>>
    %dma_start3A_9 = tpu.memref_slice %arg2[%add3A_4] : memref<8388608xf32, #tpu.memory_space<hbm>> -> memref<16384xf32, #tpu.memory_space<hbm>>
    %dma_start3A_10 = tpu.memref_slice %arg5[%dma_start3A_5] : memref<8x!tpu.dma_semaphore, #tpu.memory_space<semaphore_mem>> -> memref<1x!tpu.dma_semaphore, #tpu.memory_space<semaphore_mem>>
    %dma_start3A_11 = tpu.memref_squeeze %dma_start3A_10 : memref<1x!tpu.dma_semaphore, #tpu.memory_space<semaphore_mem>> -> memref<!tpu.dma_semaphore, #tpu.memory_space<semaphore_mem>>
    %dma_start3A_12 = arith.constant 0 : i32
    %dma_start3A_13 = tpu.memref_slice %arg4[%dma_start3A, %dma_start3A_12] : memref<4x16384xf32, #tpu.memory_space<vmem>> -> memref<1x16384xf32, #tpu.memory_space<vmem>>
    %dma_start3A_14 = tpu.memref_squeeze %dma_start3A_13 : memref<1x16384xf32, #tpu.memory_space<vmem>> -> memref<16384xf32, #tpu.memory_space<vmem>>
    %dma_start3A_15 = tpu.memref_slice %arg2[%add3A_4] : memref<8388608xf32, #tpu.memory_space<hbm>> -> memref<16384xf32, #tpu.memory_space<hbm>>
    tpu.enqueue_dma source(%dma_start3A_15 : memref<16384xf32, #tpu.memory_space<hbm>>) target(%dma_start3A_14 : memref<16384xf32, #tpu.memory_space<vmem>>) target_semaphore(%dma_start3A_11 : memref<!tpu.dma_semaphore, #tpu.memory_space<semaphore_mem>>)
    %add3A_16 = arith.constant 16384 : i32
    %add3A_17 = arith.addi %mul3A_2, %add3A_16 : i32
    %dma_start3A_18 = arith.constant 1 : i32
    %dma_start3A_19 = arith.constant 1 : i32
    %dma_start3A_20 = arith.constant 0 : i32
    %dma_start3A_21 = tpu.memref_slice %arg4[%dma_start3A_18, %dma_start3A_20] : memref<4x16384xf32, #tpu.memory_space<vmem>> -> memref<1x16384xf32, #tpu.memory_space<vmem>>
    %dma_start3A_22 = tpu.memref_squeeze %dma_start3A_21 : memref<1x16384xf32, #tpu.memory_space<vmem>> -> memref<16384xf32, #tpu.memory_space<vmem>>
    %dma_start3A_23 = tpu.memref_slice %arg2[%add3A_17] : memref<8388608xf32, #tpu.memory_space<hbm>> -> memref<16384xf32, #tpu.memory_space<hbm>>
    %dma_start3A_24 = tpu.memref_slice %arg5[%dma_start3A_19] : memref<8x!tpu.dma_semaphore, #tpu.memory_space<semaphore_mem>> -> memref<1x!tpu.dma_semaphore, #tpu.memory_space<semaphore_mem>>
    %dma_start3A_25 = tpu.memref_squeeze %dma_start3A_24 : memref<1x!tpu.dma_semaphore, #tpu.memory_space<semaphore_mem>> -> memref<!tpu.dma_semaphore, #tpu.memory_space<semaphore_mem>>
    %dma_start3A_26 = arith.constant 0 : i32
    %dma_start3A_27 = tpu.memref_slice %arg4[%dma_start3A_18, %dma_start3A_26] : memref<4x16384xf32, #tpu.memory_space<vmem>> -> memref<1x16384xf32, #tpu.memory_space<vmem>>
    %dma_start3A_28 = tpu.memref_squeeze %dma_start3A_27 : memref<1x16384xf32, #tpu.memory_space<vmem>> -> memref<16384xf32, #tpu.memory_space<vmem>>
    %dma_start3A_29 = tpu.memref_slice %arg2[%add3A_17] : memref<8388608xf32, #tpu.memory_space<hbm>> -> memref<16384xf32, #tpu.memory_space<hbm>>
    tpu.enqueue_dma source(%dma_start3A_29 : memref<16384xf32, #tpu.memory_space<hbm>>) target(%dma_start3A_28 : memref<16384xf32, #tpu.memory_space<vmem>>) target_semaphore(%dma_start3A_25 : memref<!tpu.dma_semaphore, #tpu.memory_space<semaphore_mem>>)
    %add3A_30 = arith.constant 32768 : i32
    %add3A_31 = arith.addi %mul3A_2, %add3A_30 : i32
    %dma_start3A_32 = arith.constant 2 : i32
    %dma_start3A_33 = arith.constant 2 : i32
    %dma_start3A_34 = arith.constant 0 : i32
    %dma_start3A_35 = tpu.memref_slice %arg4[%dma_start3A_32, %dma_start3A_34] : memref<4x16384xf32, #tpu.memory_space<vmem>> -> memref<1x16384xf32, #tpu.memory_space<vmem>>
    %dma_start3A_36 = tpu.memref_squeeze %dma_start3A_35 : memref<1x16384xf32, #tpu.memory_space<vmem>> -> memref<16384xf32, #tpu.memory_space<vmem>>
    %dma_start3A_37 = tpu.memref_slice %arg2[%add3A_31] : memref<8388608xf32, #tpu.memory_space<hbm>> -> memref<16384xf32, #tpu.memory_space<hbm>>
    %dma_start3A_38 = tpu.memref_slice %arg5[%dma_start3A_33] : memref<8x!tpu.dma_semaphore, #tpu.memory_space<semaphore_mem>> -> memref<1x!tpu.dma_semaphore, #tpu.memory_space<semaphore_mem>>
    %dma_start3A_39 = tpu.memref_squeeze %dma_start3A_38 : memref<1x!tpu.dma_semaphore, #tpu.memory_space<semaphore_mem>> -> memref<!tpu.dma_semaphore, #tpu.memory_space<semaphore_mem>>
    %dma_start3A_40 = arith.constant 0 : i32
    %dma_start3A_41 = tpu.memref_slice %arg4[%dma_start3A_32, %dma_start3A_40] : memref<4x16384xf32, #tpu.memory_space<vmem>> -> memref<1x16384xf32, #tpu.memory_space<vmem>>
    %dma_start3A_42 = tpu.memref_squeeze %dma_start3A_41 : memref<1x16384xf32, #tpu.memory_space<vmem>> -> memref<16384xf32, #tpu.memory_space<vmem>>
    %dma_start3A_43 = tpu.memref_slice %arg2[%add3A_31] : memref<8388608xf32, #tpu.memory_space<hbm>> -> memref<16384xf32, #tpu.memory_space<hbm>>
    tpu.enqueue_dma source(%dma_start3A_43 : memref<16384xf32, #tpu.memory_space<hbm>>) target(%dma_start3A_42 : memref<16384xf32, #tpu.memory_space<vmem>>) target_semaphore(%dma_start3A_39 : memref<!tpu.dma_semaphore, #tpu.memory_space<semaphore_mem>>)
    %add3A_44 = arith.constant 49152 : i32
    %add3A_45 = arith.addi %mul3A_2, %add3A_44 : i32
    %dma_start3A_46 = arith.constant 3 : i32
    %dma_start3A_47 = arith.constant 3 : i32
    %dma_start3A_48 = arith.constant 0 : i32
    %dma_start3A_49 = tpu.memref_slice %arg4[%dma_start3A_46, %dma_start3A_48] : memref<4x16384xf32, #tpu.memory_space<vmem>> -> memref<1x16384xf32, #tpu.memory_space<vmem>>
    %dma_start3A_50 = tpu.memref_squeeze %dma_start3A_49 : memref<1x16384xf32, #tpu.memory_space<vmem>> -> memref<16384xf32, #tpu.memory_space<vmem>>
    %dma_start3A_51 = tpu.memref_slice %arg2[%add3A_45] : memref<8388608xf32, #tpu.memory_space<hbm>> -> memref<16384xf32, #tpu.memory_space<hbm>>
    %dma_start3A_52 = tpu.memref_slice %arg5[%dma_start3A_47] : memref<8x!tpu.dma_semaphore, #tpu.memory_space<semaphore_mem>> -> memref<1x!tpu.dma_semaphore, #tpu.memory_space<semaphore_mem>>
    %dma_start3A_53 = tpu.memref_squeeze %dma_start3A_52 : memref<1x!tpu.dma_semaphore, #tpu.memory_space<semaphore_mem>> -> memref<!tpu.dma_semaphore, #tpu.memory_space<semaphore_mem>>
    %dma_start3A_54 = arith.constant 0 : i32
    %dma_start3A_55 = tpu.memref_slice %arg4[%dma_start3A_46, %dma_start3A_54] : memref<4x16384xf32, #tpu.memory_space<vmem>> -> memref<1x16384xf32, #tpu.memory_space<vmem>>
    %dma_start3A_56 = tpu.memref_squeeze %dma_start3A_55 : memref<1x16384xf32, #tpu.memory_space<vmem>> -> memref<16384xf32, #tpu.memory_space<vmem>>
    %dma_start3A_57 = tpu.memref_slice %arg2[%add3A_45] : memref<8388608xf32, #tpu.memory_space<hbm>> -> memref<16384xf32, #tpu.memory_space<hbm>>
    tpu.enqueue_dma source(%dma_start3A_57 : memref<16384xf32, #tpu.memory_space<hbm>>) target(%dma_start3A_56 : memref<16384xf32, #tpu.memory_space<vmem>>) target_semaphore(%dma_start3A_53 : memref<!tpu.dma_semaphore, #tpu.memory_space<semaphore_mem>>)
    %dma_wait3A = arith.constant 0 : i32
    %dma_wait3A_58 = arith.constant 0 : i32
    %dma_wait3A_59 = arith.constant 0 : i32
    %dma_wait3A_60 = tpu.memref_slice %arg4[%dma_wait3A, %dma_wait3A_59] : memref<4x16384xf32, #tpu.memory_space<vmem>> -> memref<1x16384xf32, #tpu.memory_space<vmem>>
    %dma_wait3A_61 = tpu.memref_squeeze %dma_wait3A_60 : memref<1x16384xf32, #tpu.memory_space<vmem>> -> memref<16384xf32, #tpu.memory_space<vmem>>
    %dma_wait3A_62 = tpu.memref_slice %arg2[%add3A_4] : memref<8388608xf32, #tpu.memory_space<hbm>> -> memref<16384xf32, #tpu.memory_space<hbm>>
    %dma_wait3A_63 = tpu.memref_slice %arg5[%dma_wait3A_58] : memref<8x!tpu.dma_semaphore, #tpu.memory_space<semaphore_mem>> -> memref<1x!tpu.dma_semaphore, #tpu.memory_space<semaphore_mem>>
    %dma_wait3A_64 = tpu.memref_squeeze %dma_wait3A_63 : memref<1x!tpu.dma_semaphore, #tpu.memory_space<semaphore_mem>> -> memref<!tpu.dma_semaphore, #tpu.memory_space<semaphore_mem>>
    %dma_wait3A_65 = arith.constant 0 : i32
    %dma_wait3A_66 = tpu.memref_slice %arg4[%dma_wait3A, %dma_wait3A_65] : memref<4x16384xf32, #tpu.memory_space<vmem>> -> memref<1x16384xf32, #tpu.memory_space<vmem>>
    %dma_wait3A_67 = tpu.memref_squeeze %dma_wait3A_66 : memref<1x16384xf32, #tpu.memory_space<vmem>> -> memref<16384xf32, #tpu.memory_space<vmem>>
    %dma_wait3A_68 = tpu.memref_slice %arg2[%add3A_4] : memref<8388608xf32, #tpu.memory_space<hbm>> -> memref<16384xf32, #tpu.memory_space<hbm>>
    tpu.wait_dma2 semaphore(%dma_wait3A_64 : memref<!tpu.dma_semaphore, #tpu.memory_space<semaphore_mem>>) src(%dma_wait3A_68 : memref<16384xf32, #tpu.memory_space<hbm>>) dst(%dma_wait3A_67 : memref<16384xf32, #tpu.memory_space<vmem>>)
    %add3A_69 = arith.constant 0 : i32
    %add3A_70 = arith.addi %mul3A_2, %add3A_69 : i32
    %dma_start3A_71 = arith.constant 0 : i32
    %dma_start3A_72 = arith.constant 0 : i32
    %dma_start3A_73 = arith.constant 0 : i32
    %dma_start3A_74 = tpu.memref_slice %arg4[%dma_start3A_71, %dma_start3A_73] : memref<4x16384xf32, #tpu.memory_space<vmem>> -> memref<1x16384xf32, #tpu.memory_space<vmem>>
    %dma_start3A_75 = tpu.memref_squeeze %dma_start3A_74 : memref<1x16384xf32, #tpu.memory_space<vmem>> -> memref<16384xf32, #tpu.memory_space<vmem>>
    %dma_start3A_76 = tpu.memref_slice %arg3[%add3A_70] : memref<4194304xf32, #tpu.memory_space<hbm>> -> memref<16384xf32, #tpu.memory_space<hbm>>
    %dma_start3A_77 = tpu.memref_slice %arg6[%dma_start3A_72] : memref<8x!tpu.dma_semaphore, #tpu.memory_space<semaphore_mem>> -> memref<1x!tpu.dma_semaphore, #tpu.memory_space<semaphore_mem>>
    %dma_start3A_78 = tpu.memref_squeeze %dma_start3A_77 : memref<1x!tpu.dma_semaphore, #tpu.memory_space<semaphore_mem>> -> memref<!tpu.dma_semaphore, #tpu.memory_space<semaphore_mem>>
    %dma_start3A_79 = tpu.memref_slice %arg3[%add3A_70] : memref<4194304xf32, #tpu.memory_space<hbm>> -> memref<16384xf32, #tpu.memory_space<hbm>>
    %dma_start3A_80 = arith.constant 0 : i32
    %dma_start3A_81 = tpu.memref_slice %arg4[%dma_start3A_71, %dma_start3A_80] : memref<4x16384xf32, #tpu.memory_space<vmem>> -> memref<1x16384xf32, #tpu.memory_space<vmem>>
    %dma_start3A_82 = tpu.memref_squeeze %dma_start3A_81 : memref<1x16384xf32, #tpu.memory_space<vmem>> -> memref<16384xf32, #tpu.memory_space<vmem>>
    tpu.enqueue_dma source(%dma_start3A_82 : memref<16384xf32, #tpu.memory_space<vmem>>) target(%dma_start3A_79 : memref<16384xf32, #tpu.memory_space<hbm>>) target_semaphore(%dma_start3A_78 : memref<!tpu.dma_semaphore, #tpu.memory_space<semaphore_mem>>)
    %dma_wait3A_83 = arith.constant 0 : i32
    %dma_wait3A_84 = arith.constant 0 : i32
    %dma_wait3A_85 = arith.constant 0 : i32
    %dma_wait3A_86 = tpu.memref_slice %arg4[%dma_wait3A_83, %dma_wait3A_85] : memref<4x16384xf32, #tpu.memory_space<vmem>> -> memref<1x16384xf32, #tpu.memory_space<vmem>>
    %dma_wait3A_87 = tpu.memref_squeeze %dma_wait3A_86 : memref<1x16384xf32, #tpu.memory_space<vmem>> -> memref<16384xf32, #tpu.memory_space<vmem>>
    %dma_wait3A_88 = tpu.memref_slice %arg3[%add3A_70] : memref<4194304xf32, #tpu.memory_space<hbm>> -> memref<16384xf32, #tpu.memory_space<hbm>>
    %dma_wait3A_89 = tpu.memref_slice %arg6[%dma_wait3A_84] : memref<8x!tpu.dma_semaphore, #tpu.memory_space<semaphore_mem>> -> memref<1x!tpu.dma_semaphore, #tpu.memory_space<semaphore_mem>>
    %dma_wait3A_90 = tpu.memref_squeeze %dma_wait3A_89 : memref<1x!tpu.dma_semaphore, #tpu.memory_space<semaphore_mem>> -> memref<!tpu.dma_semaphore, #tpu.memory_space<semaphore_mem>>
    %dma_wait3A_91 = tpu.memref_slice %arg3[%add3A_70] : memref<4194304xf32, #tpu.memory_space<hbm>> -> memref<16384xf32, #tpu.memory_space<hbm>>
    %dma_wait3A_92 = arith.constant 0 : i32
    %dma_wait3A_93 = tpu.memref_slice %arg4[%dma_wait3A_83, %dma_wait3A_92] : memref<4x16384xf32, #tpu.memory_space<vmem>> -> memref<1x16384xf32, #tpu.memory_space<vmem>>
    %dma_wait3A_94 = tpu.memref_squeeze %dma_wait3A_93 : memref<1x16384xf32, #tpu.memory_space<vmem>> -> memref<16384xf32, #tpu.memory_space<vmem>>
    tpu.wait_dma2 semaphore(%dma_wait3A_90 : memref<!tpu.dma_semaphore, #tpu.memory_space<semaphore_mem>>) src(%dma_wait3A_94 : memref<16384xf32, #tpu.memory_space<vmem>>) dst(%dma_wait3A_91 : memref<16384xf32, #tpu.memory_space<hbm>>)
    %add3A_95 = arith.constant 65536 : i32
    %add3A_96 = arith.addi %mul3A_2, %add3A_95 : i32
    %dma_start3A_97 = arith.constant 0 : i32
    %dma_start3A_98 = arith.constant 4 : i32
    %dma_start3A_99 = arith.constant 0 : i32
    %dma_start3A_100 = tpu.memref_slice %arg4[%dma_start3A_97, %dma_start3A_99] : memref<4x16384xf32, #tpu.memory_space<vmem>> -> memref<1x16384xf32, #tpu.memory_space<vmem>>
    %dma_start3A_101 = tpu.memref_squeeze %dma_start3A_100 : memref<1x16384xf32, #tpu.memory_space<vmem>> -> memref<16384xf32, #tpu.memory_space<vmem>>
    %dma_start3A_102 = tpu.memref_slice %arg2[%add3A_96] : memref<8388608xf32, #tpu.memory_space<hbm>> -> memref<16384xf32, #tpu.memory_space<hbm>>
    %dma_start3A_103 = tpu.memref_slice %arg5[%dma_start3A_98] : memref<8x!tpu.dma_semaphore, #tpu.memory_space<semaphore_mem>> -> memref<1x!tpu.dma_semaphore, #tpu.memory_space<semaphore_mem>>
    %dma_start3A_104 = tpu.memref_squeeze %dma_start3A_103 : memref<1x!tpu.dma_semaphore, #tpu.memory_space<semaphore_mem>> -> memref<!tpu.dma_semaphore, #tpu.memory_space<semaphore_mem>>
    %dma_start3A_105 = arith.constant 0 : i32
    %dma_start3A_106 = tpu.memref_slice %arg4[%dma_start3A_97, %dma_start3A_105] : memref<4x16384xf32, #tpu.memory_space<vmem>> -> memref<1x16384xf32, #tpu.memory_space<vmem>>
    %dma_start3A_107 = tpu.memref_squeeze %dma_start3A_106 : memref<1x16384xf32, #tpu.memory_space<vmem>> -> memref<16384xf32, #tpu.memory_space<vmem>>
    %dma_start3A_108 = tpu.memref_slice %arg2[%add3A_96] : memref<8388608xf32, #tpu.memory_space<hbm>> -> memref<16384xf32, #tpu.memory_space<hbm>>
    tpu.enqueue_dma source(%dma_start3A_108 : memref<16384xf32, #tpu.memory_space<hbm>>) target(%dma_start3A_107 : memref<16384xf32, #tpu.memory_space<vmem>>) target_semaphore(%dma_start3A_104 : memref<!tpu.dma_semaphore, #tpu.memory_space<semaphore_mem>>)
    %dma_wait3A_109 = arith.constant 1 : i32
    %dma_wait3A_110 = arith.constant 1 : i32
    %dma_wait3A_111 = arith.constant 0 : i32
    %dma_wait3A_112 = tpu.memref_slice %arg4[%dma_wait3A_109, %dma_wait3A_111] : memref<4x16384xf32, #tpu.memory_space<vmem>> -> memref<1x16384xf32, #tpu.memory_space<vmem>>
    %dma_wait3A_113 = tpu.memref_squeeze %dma_wait3A_112 : memref<1x16384xf32, #tpu.memory_space<vmem>> -> memref<16384xf32, #tpu.memory_space<vmem>>
    %dma_wait3A_114 = tpu.memref_slice %arg2[%add3A_17] : memref<8388608xf32, #tpu.memory_space<hbm>> -> memref<16384xf32, #tpu.memory_space<hbm>>
    %dma_wait3A_115 = tpu.memref_slice %arg5[%dma_wait3A_110] : memref<8x!tpu.dma_semaphore, #tpu.memory_space<semaphore_mem>> -> memref<1x!tpu.dma_semaphore, #tpu.memory_space<semaphore_mem>>
    %dma_wait3A_116 = tpu.memref_squeeze %dma_wait3A_115 : memref<1x!tpu.dma_semaphore, #tpu.memory_space<semaphore_mem>> -> memref<!tpu.dma_semaphore, #tpu.memory_space<semaphore_mem>>
    %dma_wait3A_117 = arith.constant 0 : i32
    %dma_wait3A_118 = tpu.memref_slice %arg4[%dma_wait3A_109, %dma_wait3A_117] : memref<4x16384xf32, #tpu.memory_space<vmem>> -> memref<1x16384xf32, #tpu.memory_space<vmem>>
    %dma_wait3A_119 = tpu.memref_squeeze %dma_wait3A_118 : memref<1x16384xf32, #tpu.memory_space<vmem>> -> memref<16384xf32, #tpu.memory_space<vmem>>
    %dma_wait3A_120 = tpu.memref_slice %arg2[%add3A_17] : memref<8388608xf32, #tpu.memory_space<hbm>> -> memref<16384xf32, #tpu.memory_space<hbm>>
    tpu.wait_dma2 semaphore(%dma_wait3A_116 : memref<!tpu.dma_semaphore, #tpu.memory_space<semaphore_mem>>) src(%dma_wait3A_120 : memref<16384xf32, #tpu.memory_space<hbm>>) dst(%dma_wait3A_119 : memref<16384xf32, #tpu.memory_space<vmem>>)
    %add3A_121 = arith.constant 16384 : i32
    %add3A_122 = arith.addi %mul3A_2, %add3A_121 : i32
    %dma_start3A_123 = arith.constant 1 : i32
    %dma_start3A_124 = arith.constant 1 : i32
    %dma_start3A_125 = arith.constant 0 : i32
    %dma_start3A_126 = tpu.memref_slice %arg4[%dma_start3A_123, %dma_start3A_125] : memref<4x16384xf32, #tpu.memory_space<vmem>> -> memref<1x16384xf32, #tpu.memory_space<vmem>>
    %dma_start3A_127 = tpu.memref_squeeze %dma_start3A_126 : memref<1x16384xf32, #tpu.memory_space<vmem>> -> memref<16384xf32, #tpu.memory_space<vmem>>
    %dma_start3A_128 = tpu.memref_slice %arg3[%add3A_122] : memref<4194304xf32, #tpu.memory_space<hbm>> -> memref<16384xf32, #tpu.memory_space<hbm>>
    %dma_start3A_129 = tpu.memref_slice %arg6[%dma_start3A_124] : memref<8x!tpu.dma_semaphore, #tpu.memory_space<semaphore_mem>> -> memref<1x!tpu.dma_semaphore, #tpu.memory_space<semaphore_mem>>
    %dma_start3A_130 = tpu.memref_squeeze %dma_start3A_129 : memref<1x!tpu.dma_semaphore, #tpu.memory_space<semaphore_mem>> -> memref<!tpu.dma_semaphore, #tpu.memory_space<semaphore_mem>>
    %dma_start3A_131 = tpu.memref_slice %arg3[%add3A_122] : memref<4194304xf32, #tpu.memory_space<hbm>> -> memref<16384xf32, #tpu.memory_space<hbm>>
    %dma_start3A_132 = arith.constant 0 : i32
    %dma_start3A_133 = tpu.memref_slice %arg4[%dma_start3A_123, %dma_start3A_132] : memref<4x16384xf32, #tpu.memory_space<vmem>> -> memref<1x16384xf32, #tpu.memory_space<vmem>>
    %dma_start3A_134 = tpu.memref_squeeze %dma_start3A_133 : memref<1x16384xf32, #tpu.memory_space<vmem>> -> memref<16384xf32, #tpu.memory_space<vmem>>
    tpu.enqueue_dma source(%dma_start3A_134 : memref<16384xf32, #tpu.memory_space<vmem>>) target(%dma_start3A_131 : memref<16384xf32, #tpu.memory_space<hbm>>) target_semaphore(%dma_start3A_130 : memref<!tpu.dma_semaphore, #tpu.memory_space<semaphore_mem>>)
    %dma_wait3A_135 = arith.constant 1 : i32
    %dma_wait3A_136 = arith.constant 1 : i32
    %dma_wait3A_137 = arith.constant 0 : i32
    %dma_wait3A_138 = tpu.memref_slice %arg4[%dma_wait3A_135, %dma_wait3A_137] : memref<4x16384xf32, #tpu.memory_space<vmem>> -> memref<1x16384xf32, #tpu.memory_space<vmem>>
    %dma_wait3A_139 = tpu.memref_squeeze %dma_wait3A_138 : memref<1x16384xf32, #tpu.memory_space<vmem>> -> memref<16384xf32, #tpu.memory_space<vmem>>
    %dma_wait3A_140 = tpu.memref_slice %arg3[%add3A_122] : memref<4194304xf32, #tpu.memory_space<hbm>> -> memref<16384xf32, #tpu.memory_space<hbm>>
    %dma_wait3A_141 = tpu.memref_slice %arg6[%dma_wait3A_136] : memref<8x!tpu.dma_semaphore, #tpu.memory_space<semaphore_mem>> -> memref<1x!tpu.dma_semaphore, #tpu.memory_space<semaphore_mem>>
    %dma_wait3A_142 = tpu.memref_squeeze %dma_wait3A_141 : memref<1x!tpu.dma_semaphore, #tpu.memory_space<semaphore_mem>> -> memref<!tpu.dma_semaphore, #tpu.memory_space<semaphore_mem>>
    %dma_wait3A_143 = tpu.memref_slice %arg3[%add3A_122] : memref<4194304xf32, #tpu.memory_space<hbm>> -> memref<16384xf32, #tpu.memory_space<hbm>>
    %dma_wait3A_144 = arith.constant 0 : i32
    %dma_wait3A_145 = tpu.memref_slice %arg4[%dma_wait3A_135, %dma_wait3A_144] : memref<4x16384xf32, #tpu.memory_space<vmem>> -> memref<1x16384xf32, #tpu.memory_space<vmem>>
    %dma_wait3A_146 = tpu.memref_squeeze %dma_wait3A_145 : memref<1x16384xf32, #tpu.memory_space<vmem>> -> memref<16384xf32, #tpu.memory_space<vmem>>
    tpu.wait_dma2 semaphore(%dma_wait3A_142 : memref<!tpu.dma_semaphore, #tpu.memory_space<semaphore_mem>>) src(%dma_wait3A_146 : memref<16384xf32, #tpu.memory_space<vmem>>) dst(%dma_wait3A_143 : memref<16384xf32, #tpu.memory_space<hbm>>)
    %add3A_147 = arith.constant 81920 : i32
    %add3A_148 = arith.addi %mul3A_2, %add3A_147 : i32
    %dma_start3A_149 = arith.constant 1 : i32
    %dma_start3A_150 = arith.constant 5 : i32
    %dma_start3A_151 = arith.constant 0 : i32
    %dma_start3A_152 = tpu.memref_slice %arg4[%dma_start3A_149, %dma_start3A_151] : memref<4x16384xf32, #tpu.memory_space<vmem>> -> memref<1x16384xf32, #tpu.memory_space<vmem>>
    %dma_start3A_153 = tpu.memref_squeeze %dma_start3A_152 : memref<1x16384xf32, #tpu.memory_space<vmem>> -> memref<16384xf32, #tpu.memory_space<vmem>>
    %dma_start3A_154 = tpu.memref_slice %arg2[%add3A_148] : memref<8388608xf32, #tpu.memory_space<hbm>> -> memref<16384xf32, #tpu.memory_space<hbm>>
    %dma_start3A_155 = tpu.memref_slice %arg5[%dma_start3A_150] : memref<8x!tpu.dma_semaphore, #tpu.memory_space<semaphore_mem>> -> memref<1x!tpu.dma_semaphore, #tpu.memory_space<semaphore_mem>>
    %dma_start3A_156 = tpu.memref_squeeze %dma_start3A_155 : memref<1x!tpu.dma_semaphore, #tpu.memory_space<semaphore_mem>> -> memref<!tpu.dma_semaphore, #tpu.memory_space<semaphore_mem>>
    %dma_start3A_157 = arith.constant 0 : i32
    %dma_start3A_158 = tpu.memref_slice %arg4[%dma_start3A_149, %dma_start3A_157] : memref<4x16384xf32, #tpu.memory_space<vmem>> -> memref<1x16384xf32, #tpu.memory_space<vmem>>
    %dma_start3A_159 = tpu.memref_squeeze %dma_start3A_158 : memref<1x16384xf32, #tpu.memory_space<vmem>> -> memref<16384xf32, #tpu.memory_space<vmem>>
    %dma_start3A_160 = tpu.memref_slice %arg2[%add3A_148] : memref<8388608xf32, #tpu.memory_space<hbm>> -> memref<16384xf32, #tpu.memory_space<hbm>>
    tpu.enqueue_dma source(%dma_start3A_160 : memref<16384xf32, #tpu.memory_space<hbm>>) target(%dma_start3A_159 : memref<16384xf32, #tpu.memory_space<vmem>>) target_semaphore(%dma_start3A_156 : memref<!tpu.dma_semaphore, #tpu.memory_space<semaphore_mem>>)
    %dma_wait3A_161 = arith.constant 2 : i32
    %dma_wait3A_162 = arith.constant 2 : i32
    %dma_wait3A_163 = arith.constant 0 : i32
    %dma_wait3A_164 = tpu.memref_slice %arg4[%dma_wait3A_161, %dma_wait3A_163] : memref<4x16384xf32, #tpu.memory_space<vmem>> -> memref<1x16384xf32, #tpu.memory_space<vmem>>
    %dma_wait3A_165 = tpu.memref_squeeze %dma_wait3A_164 : memref<1x16384xf32, #tpu.memory_space<vmem>> -> memref<16384xf32, #tpu.memory_space<vmem>>
    %dma_wait3A_166 = tpu.memref_slice %arg2[%add3A_31] : memref<8388608xf32, #tpu.memory_space<hbm>> -> memref<16384xf32, #tpu.memory_space<hbm>>
    %dma_wait3A_167 = tpu.memref_slice %arg5[%dma_wait3A_162] : memref<8x!tpu.dma_semaphore, #tpu.memory_space<semaphore_mem>> -> memref<1x!tpu.dma_semaphore, #tpu.memory_space<semaphore_mem>>
    %dma_wait3A_168 = tpu.memref_squeeze %dma_wait3A_167 : memref<1x!tpu.dma_semaphore, #tpu.memory_space<semaphore_mem>> -> memref<!tpu.dma_semaphore, #tpu.memory_space<semaphore_mem>>
    %dma_wait3A_169 = arith.constant 0 : i32
    %dma_wait3A_170 = tpu.memref_slice %arg4[%dma_wait3A_161, %dma_wait3A_169] : memref<4x16384xf32, #tpu.memory_space<vmem>> -> memref<1x16384xf32, #tpu.memory_space<vmem>>
    %dma_wait3A_171 = tpu.memref_squeeze %dma_wait3A_170 : memref<1x16384xf32, #tpu.memory_space<vmem>> -> memref<16384xf32, #tpu.memory_space<vmem>>
    %dma_wait3A_172 = tpu.memref_slice %arg2[%add3A_31] : memref<8388608xf32, #tpu.memory_space<hbm>> -> memref<16384xf32, #tpu.memory_space<hbm>>
    tpu.wait_dma2 semaphore(%dma_wait3A_168 : memref<!tpu.dma_semaphore, #tpu.memory_space<semaphore_mem>>) src(%dma_wait3A_172 : memref<16384xf32, #tpu.memory_space<hbm>>) dst(%dma_wait3A_171 : memref<16384xf32, #tpu.memory_space<vmem>>)
    %add3A_173 = arith.constant 32768 : i32
    %add3A_174 = arith.addi %mul3A_2, %add3A_173 : i32
    %dma_start3A_175 = arith.constant 2 : i32
    %dma_start3A_176 = arith.constant 2 : i32
    %dma_start3A_177 = arith.constant 0 : i32
    %dma_start3A_178 = tpu.memref_slice %arg4[%dma_start3A_175, %dma_start3A_177] : memref<4x16384xf32, #tpu.memory_space<vmem>> -> memref<1x16384xf32, #tpu.memory_space<vmem>>
    %dma_start3A_179 = tpu.memref_squeeze %dma_start3A_178 : memref<1x16384xf32, #tpu.memory_space<vmem>> -> memref<16384xf32, #tpu.memory_space<vmem>>
    %dma_start3A_180 = tpu.memref_slice %arg3[%add3A_174] : memref<4194304xf32, #tpu.memory_space<hbm>> -> memref<16384xf32, #tpu.memory_space<hbm>>
    %dma_start3A_181 = tpu.memref_slice %arg6[%dma_start3A_176] : memref<8x!tpu.dma_semaphore, #tpu.memory_space<semaphore_mem>> -> memref<1x!tpu.dma_semaphore, #tpu.memory_space<semaphore_mem>>
    %dma_start3A_182 = tpu.memref_squeeze %dma_start3A_181 : memref<1x!tpu.dma_semaphore, #tpu.memory_space<semaphore_mem>> -> memref<!tpu.dma_semaphore, #tpu.memory_space<semaphore_mem>>
    %dma_start3A_183 = tpu.memref_slice %arg3[%add3A_174] : memref<4194304xf32, #tpu.memory_space<hbm>> -> memref<16384xf32, #tpu.memory_space<hbm>>
    %dma_start3A_184 = arith.constant 0 : i32
    %dma_start3A_185 = tpu.memref_slice %arg4[%dma_start3A_175, %dma_start3A_184] : memref<4x16384xf32, #tpu.memory_space<vmem>> -> memref<1x16384xf32, #tpu.memory_space<vmem>>
    %dma_start3A_186 = tpu.memref_squeeze %dma_start3A_185 : memref<1x16384xf32, #tpu.memory_space<vmem>> -> memref<16384xf32, #tpu.memory_space<vmem>>
    tpu.enqueue_dma source(%dma_start3A_186 : memref<16384xf32, #tpu.memory_space<vmem>>) target(%dma_start3A_183 : memref<16384xf32, #tpu.memory_space<hbm>>) target_semaphore(%dma_start3A_182 : memref<!tpu.dma_semaphore, #tpu.memory_space<semaphore_mem>>)
    %dma_wait3A_187 = arith.constant 2 : i32
    %dma_wait3A_188 = arith.constant 2 : i32
    %dma_wait3A_189 = arith.constant 0 : i32
    %dma_wait3A_190 = tpu.memref_slice %arg4[%dma_wait3A_187, %dma_wait3A_189] : memref<4x16384xf32, #tpu.memory_space<vmem>> -> memref<1x16384xf32, #tpu.memory_space<vmem>>
    %dma_wait3A_191 = tpu.memref_squeeze %dma_wait3A_190 : memref<1x16384xf32, #tpu.memory_space<vmem>> -> memref<16384xf32, #tpu.memory_space<vmem>>
    %dma_wait3A_192 = tpu.memref_slice %arg3[%add3A_174] : memref<4194304xf32, #tpu.memory_space<hbm>> -> memref<16384xf32, #tpu.memory_space<hbm>>
    %dma_wait3A_193 = tpu.memref_slice %arg6[%dma_wait3A_188] : memref<8x!tpu.dma_semaphore, #tpu.memory_space<semaphore_mem>> -> memref<1x!tpu.dma_semaphore, #tpu.memory_space<semaphore_mem>>
    %dma_wait3A_194 = tpu.memref_squeeze %dma_wait3A_193 : memref<1x!tpu.dma_semaphore, #tpu.memory_space<semaphore_mem>> -> memref<!tpu.dma_semaphore, #tpu.memory_space<semaphore_mem>>
    %dma_wait3A_195 = tpu.memref_slice %arg3[%add3A_174] : memref<4194304xf32, #tpu.memory_space<hbm>> -> memref<16384xf32, #tpu.memory_space<hbm>>
    %dma_wait3A_196 = arith.constant 0 : i32
    %dma_wait3A_197 = tpu.memref_slice %arg4[%dma_wait3A_187, %dma_wait3A_196] : memref<4x16384xf32, #tpu.memory_space<vmem>> -> memref<1x16384xf32, #tpu.memory_space<vmem>>
    %dma_wait3A_198 = tpu.memref_squeeze %dma_wait3A_197 : memref<1x16384xf32, #tpu.memory_space<vmem>> -> memref<16384xf32, #tpu.memory_space<vmem>>
    tpu.wait_dma2 semaphore(%dma_wait3A_194 : memref<!tpu.dma_semaphore, #tpu.memory_space<semaphore_mem>>) src(%dma_wait3A_198 : memref<16384xf32, #tpu.memory_space<vmem>>) dst(%dma_wait3A_195 : memref<16384xf32, #tpu.memory_space<hbm>>)
    %add3A_199 = arith.constant 98304 : i32
    %add3A_200 = arith.addi %mul3A_2, %add3A_199 : i32
    %dma_start3A_201 = arith.constant 2 : i32
    %dma_start3A_202 = arith.constant 6 : i32
    %dma_start3A_203 = arith.constant 0 : i32
    %dma_start3A_204 = tpu.memref_slice %arg4[%dma_start3A_201, %dma_start3A_203] : memref<4x16384xf32, #tpu.memory_space<vmem>> -> memref<1x16384xf32, #tpu.memory_space<vmem>>
    %dma_start3A_205 = tpu.memref_squeeze %dma_start3A_204 : memref<1x16384xf32, #tpu.memory_space<vmem>> -> memref<16384xf32, #tpu.memory_space<vmem>>
    %dma_start3A_206 = tpu.memref_slice %arg2[%add3A_200] : memref<8388608xf32, #tpu.memory_space<hbm>> -> memref<16384xf32, #tpu.memory_space<hbm>>
    %dma_start3A_207 = tpu.memref_slice %arg5[%dma_start3A_202] : memref<8x!tpu.dma_semaphore, #tpu.memory_space<semaphore_mem>> -> memref<1x!tpu.dma_semaphore, #tpu.memory_space<semaphore_mem>>
    %dma_start3A_208 = tpu.memref_squeeze %dma_start3A_207 : memref<1x!tpu.dma_semaphore, #tpu.memory_space<semaphore_mem>> -> memref<!tpu.dma_semaphore, #tpu.memory_space<semaphore_mem>>
    %dma_start3A_209 = arith.constant 0 : i32
    %dma_start3A_210 = tpu.memref_slice %arg4[%dma_start3A_201, %dma_start3A_209] : memref<4x16384xf32, #tpu.memory_space<vmem>> -> memref<1x16384xf32, #tpu.memory_space<vmem>>
    %dma_start3A_211 = tpu.memref_squeeze %dma_start3A_210 : memref<1x16384xf32, #tpu.memory_space<vmem>> -> memref<16384xf32, #tpu.memory_space<vmem>>
    %dma_start3A_212 = tpu.memref_slice %arg2[%add3A_200] : memref<8388608xf32, #tpu.memory_space<hbm>> -> memref<16384xf32, #tpu.memory_space<hbm>>
    tpu.enqueue_dma source(%dma_start3A_212 : memref<16384xf32, #tpu.memory_space<hbm>>) target(%dma_start3A_211 : memref<16384xf32, #tpu.memory_space<vmem>>) target_semaphore(%dma_start3A_208 : memref<!tpu.dma_semaphore, #tpu.memory_space<semaphore_mem>>)
    %dma_wait3A_213 = arith.constant 3 : i32
    %dma_wait3A_214 = arith.constant 3 : i32
    %dma_wait3A_215 = arith.constant 0 : i32
    %dma_wait3A_216 = tpu.memref_slice %arg4[%dma_wait3A_213, %dma_wait3A_215] : memref<4x16384xf32, #tpu.memory_space<vmem>> -> memref<1x16384xf32, #tpu.memory_space<vmem>>
    %dma_wait3A_217 = tpu.memref_squeeze %dma_wait3A_216 : memref<1x16384xf32, #tpu.memory_space<vmem>> -> memref<16384xf32, #tpu.memory_space<vmem>>
    %dma_wait3A_218 = tpu.memref_slice %arg2[%add3A_45] : memref<8388608xf32, #tpu.memory_space<hbm>> -> memref<16384xf32, #tpu.memory_space<hbm>>
    %dma_wait3A_219 = tpu.memref_slice %arg5[%dma_wait3A_214] : memref<8x!tpu.dma_semaphore, #tpu.memory_space<semaphore_mem>> -> memref<1x!tpu.dma_semaphore, #tpu.memory_space<semaphore_mem>>
    %dma_wait3A_220 = tpu.memref_squeeze %dma_wait3A_219 : memref<1x!tpu.dma_semaphore, #tpu.memory_space<semaphore_mem>> -> memref<!tpu.dma_semaphore, #tpu.memory_space<semaphore_mem>>
    %dma_wait3A_221 = arith.constant 0 : i32
    %dma_wait3A_222 = tpu.memref_slice %arg4[%dma_wait3A_213, %dma_wait3A_221] : memref<4x16384xf32, #tpu.memory_space<vmem>> -> memref<1x16384xf32, #tpu.memory_space<vmem>>
    %dma_wait3A_223 = tpu.memref_squeeze %dma_wait3A_222 : memref<1x16384xf32, #tpu.memory_space<vmem>> -> memref<16384xf32, #tpu.memory_space<vmem>>
    %dma_wait3A_224 = tpu.memref_slice %arg2[%add3A_45] : memref<8388608xf32, #tpu.memory_space<hbm>> -> memref<16384xf32, #tpu.memory_space<hbm>>
    tpu.wait_dma2 semaphore(%dma_wait3A_220 : memref<!tpu.dma_semaphore, #tpu.memory_space<semaphore_mem>>) src(%dma_wait3A_224 : memref<16384xf32, #tpu.memory_space<hbm>>) dst(%dma_wait3A_223 : memref<16384xf32, #tpu.memory_space<vmem>>)
    %add3A_225 = arith.constant 49152 : i32
    %add3A_226 = arith.addi %mul3A_2, %add3A_225 : i32
    %dma_start3A_227 = arith.constant 3 : i32
    %dma_start3A_228 = arith.constant 3 : i32
    %dma_start3A_229 = arith.constant 0 : i32
    %dma_start3A_230 = tpu.memref_slice %arg4[%dma_start3A_227, %dma_start3A_229] : memref<4x16384xf32, #tpu.memory_space<vmem>> -> memref<1x16384xf32, #tpu.memory_space<vmem>>
    %dma_start3A_231 = tpu.memref_squeeze %dma_start3A_230 : memref<1x16384xf32, #tpu.memory_space<vmem>> -> memref<16384xf32, #tpu.memory_space<vmem>>
    %dma_start3A_232 = tpu.memref_slice %arg3[%add3A_226] : memref<4194304xf32, #tpu.memory_space<hbm>> -> memref<16384xf32, #tpu.memory_space<hbm>>
    %dma_start3A_233 = tpu.memref_slice %arg6[%dma_start3A_228] : memref<8x!tpu.dma_semaphore, #tpu.memory_space<semaphore_mem>> -> memref<1x!tpu.dma_semaphore, #tpu.memory_space<semaphore_mem>>
    %dma_start3A_234 = tpu.memref_squeeze %dma_start3A_233 : memref<1x!tpu.dma_semaphore, #tpu.memory_space<semaphore_mem>> -> memref<!tpu.dma_semaphore, #tpu.memory_space<semaphore_mem>>
    %dma_start3A_235 = tpu.memref_slice %arg3[%add3A_226] : memref<4194304xf32, #tpu.memory_space<hbm>> -> memref<16384xf32, #tpu.memory_space<hbm>>
    %dma_start3A_236 = arith.constant 0 : i32
    %dma_start3A_237 = tpu.memref_slice %arg4[%dma_start3A_227, %dma_start3A_236] : memref<4x16384xf32, #tpu.memory_space<vmem>> -> memref<1x16384xf32, #tpu.memory_space<vmem>>
    %dma_start3A_238 = tpu.memref_squeeze %dma_start3A_237 : memref<1x16384xf32, #tpu.memory_space<vmem>> -> memref<16384xf32, #tpu.memory_space<vmem>>
    tpu.enqueue_dma source(%dma_start3A_238 : memref<16384xf32, #tpu.memory_space<vmem>>) target(%dma_start3A_235 : memref<16384xf32, #tpu.memory_space<hbm>>) target_semaphore(%dma_start3A_234 : memref<!tpu.dma_semaphore, #tpu.memory_space<semaphore_mem>>)
    %dma_wait3A_239 = arith.constant 3 : i32
    %dma_wait3A_240 = arith.constant 3 : i32
    %dma_wait3A_241 = arith.constant 0 : i32
    %dma_wait3A_242 = tpu.memref_slice %arg4[%dma_wait3A_239, %dma_wait3A_241] : memref<4x16384xf32, #tpu.memory_space<vmem>> -> memref<1x16384xf32, #tpu.memory_space<vmem>>
    %dma_wait3A_243 = tpu.memref_squeeze %dma_wait3A_242 : memref<1x16384xf32, #tpu.memory_space<vmem>> -> memref<16384xf32, #tpu.memory_space<vmem>>
    %dma_wait3A_244 = tpu.memref_slice %arg3[%add3A_226] : memref<4194304xf32, #tpu.memory_space<hbm>> -> memref<16384xf32, #tpu.memory_space<hbm>>
    %dma_wait3A_245 = tpu.memref_slice %arg6[%dma_wait3A_240] : memref<8x!tpu.dma_semaphore, #tpu.memory_space<semaphore_mem>> -> memref<1x!tpu.dma_semaphore, #tpu.memory_space<semaphore_mem>>
    %dma_wait3A_246 = tpu.memref_squeeze %dma_wait3A_245 : memref<1x!tpu.dma_semaphore, #tpu.memory_space<semaphore_mem>> -> memref<!tpu.dma_semaphore, #tpu.memory_space<semaphore_mem>>
    %dma_wait3A_247 = tpu.memref_slice %arg3[%add3A_226] : memref<4194304xf32, #tpu.memory_space<hbm>> -> memref<16384xf32, #tpu.memory_space<hbm>>
    %dma_wait3A_248 = arith.constant 0 : i32
    %dma_wait3A_249 = tpu.memref_slice %arg4[%dma_wait3A_239, %dma_wait3A_248] : memref<4x16384xf32, #tpu.memory_space<vmem>> -> memref<1x16384xf32, #tpu.memory_space<vmem>>
    %dma_wait3A_250 = tpu.memref_squeeze %dma_wait3A_249 : memref<1x16384xf32, #tpu.memory_space<vmem>> -> memref<16384xf32, #tpu.memory_space<vmem>>
    tpu.wait_dma2 semaphore(%dma_wait3A_246 : memref<!tpu.dma_semaphore, #tpu.memory_space<semaphore_mem>>) src(%dma_wait3A_250 : memref<16384xf32, #tpu.memory_space<vmem>>) dst(%dma_wait3A_247 : memref<16384xf32, #tpu.memory_space<hbm>>)
    %add3A_251 = arith.constant 114688 : i32
    %add3A_252 = arith.addi %mul3A_2, %add3A_251 : i32
    %dma_start3A_253 = arith.constant 3 : i32
    %dma_start3A_254 = arith.constant 7 : i32
    %dma_start3A_255 = arith.constant 0 : i32
    %dma_start3A_256 = tpu.memref_slice %arg4[%dma_start3A_253, %dma_start3A_255] : memref<4x16384xf32, #tpu.memory_space<vmem>> -> memref<1x16384xf32, #tpu.memory_space<vmem>>
    %dma_start3A_257 = tpu.memref_squeeze %dma_start3A_256 : memref<1x16384xf32, #tpu.memory_space<vmem>> -> memref<16384xf32, #tpu.memory_space<vmem>>
    %dma_start3A_258 = tpu.memref_slice %arg2[%add3A_252] : memref<8388608xf32, #tpu.memory_space<hbm>> -> memref<16384xf32, #tpu.memory_space<hbm>>
    %dma_start3A_259 = tpu.memref_slice %arg5[%dma_start3A_254] : memref<8x!tpu.dma_semaphore, #tpu.memory_space<semaphore_mem>> -> memref<1x!tpu.dma_semaphore, #tpu.memory_space<semaphore_mem>>
    %dma_start3A_260 = tpu.memref_squeeze %dma_start3A_259 : memref<1x!tpu.dma_semaphore, #tpu.memory_space<semaphore_mem>> -> memref<!tpu.dma_semaphore, #tpu.memory_space<semaphore_mem>>
    %dma_start3A_261 = arith.constant 0 : i32
    %dma_start3A_262 = tpu.memref_slice %arg4[%dma_start3A_253, %dma_start3A_261] : memref<4x16384xf32, #tpu.memory_space<vmem>> -> memref<1x16384xf32, #tpu.memory_space<vmem>>
    %dma_start3A_263 = tpu.memref_squeeze %dma_start3A_262 : memref<1x16384xf32, #tpu.memory_space<vmem>> -> memref<16384xf32, #tpu.memory_space<vmem>>
    %dma_start3A_264 = tpu.memref_slice %arg2[%add3A_252] : memref<8388608xf32, #tpu.memory_space<hbm>> -> memref<16384xf32, #tpu.memory_space<hbm>>
    tpu.enqueue_dma source(%dma_start3A_264 : memref<16384xf32, #tpu.memory_space<hbm>>) target(%dma_start3A_263 : memref<16384xf32, #tpu.memory_space<vmem>>) target_semaphore(%dma_start3A_260 : memref<!tpu.dma_semaphore, #tpu.memory_space<semaphore_mem>>)
    %dma_wait3A_265 = arith.constant 0 : i32
    %dma_wait3A_266 = arith.constant 4 : i32
    %dma_wait3A_267 = arith.constant 0 : i32
    %dma_wait3A_268 = tpu.memref_slice %arg4[%dma_wait3A_265, %dma_wait3A_267] : memref<4x16384xf32, #tpu.memory_space<vmem>> -> memref<1x16384xf32, #tpu.memory_space<vmem>>
    %dma_wait3A_269 = tpu.memref_squeeze %dma_wait3A_268 : memref<1x16384xf32, #tpu.memory_space<vmem>> -> memref<16384xf32, #tpu.memory_space<vmem>>
    %dma_wait3A_270 = tpu.memref_slice %arg2[%add3A_96] : memref<8388608xf32, #tpu.memory_space<hbm>> -> memref<16384xf32, #tpu.memory_space<hbm>>
    %dma_wait3A_271 = tpu.memref_slice %arg5[%dma_wait3A_266] : memref<8x!tpu.dma_semaphore, #tpu.memory_space<semaphore_mem>> -> memref<1x!tpu.dma_semaphore, #tpu.memory_space<semaphore_mem>>
    %dma_wait3A_272 = tpu.memref_squeeze %dma_wait3A_271 : memref<1x!tpu.dma_semaphore, #tpu.memory_space<semaphore_mem>> -> memref<!tpu.dma_semaphore, #tpu.memory_space<semaphore_mem>>
    %dma_wait3A_273 = arith.constant 0 : i32
    %dma_wait3A_274 = tpu.memref_slice %arg4[%dma_wait3A_265, %dma_wait3A_273] : memref<4x16384xf32, #tpu.memory_space<vmem>> -> memref<1x16384xf32, #tpu.memory_space<vmem>>
    %dma_wait3A_275 = tpu.memref_squeeze %dma_wait3A_274 : memref<1x16384xf32, #tpu.memory_space<vmem>> -> memref<16384xf32, #tpu.memory_space<vmem>>
    %dma_wait3A_276 = tpu.memref_slice %arg2[%add3A_96] : memref<8388608xf32, #tpu.memory_space<hbm>> -> memref<16384xf32, #tpu.memory_space<hbm>>
    tpu.wait_dma2 semaphore(%dma_wait3A_272 : memref<!tpu.dma_semaphore, #tpu.memory_space<semaphore_mem>>) src(%dma_wait3A_276 : memref<16384xf32, #tpu.memory_space<hbm>>) dst(%dma_wait3A_275 : memref<16384xf32, #tpu.memory_space<vmem>>)
    %add3A_277 = arith.constant 65536 : i32
    %add3A_278 = arith.addi %mul3A_2, %add3A_277 : i32
    %dma_start3A_279 = arith.constant 0 : i32
    %dma_start3A_280 = arith.constant 4 : i32
    %dma_start3A_281 = arith.constant 0 : i32
    %dma_start3A_282 = tpu.memref_slice %arg4[%dma_start3A_279, %dma_start3A_281] : memref<4x16384xf32, #tpu.memory_space<vmem>> -> memref<1x16384xf32, #tpu.memory_space<vmem>>
    %dma_start3A_283 = tpu.memref_squeeze %dma_start3A_282 : memref<1x16384xf32, #tpu.memory_space<vmem>> -> memref<16384xf32, #tpu.memory_space<vmem>>
    %dma_start3A_284 = tpu.memref_slice %arg3[%add3A_278] : memref<4194304xf32, #tpu.memory_space<hbm>> -> memref<16384xf32, #tpu.memory_space<hbm>>
    %dma_start3A_285 = tpu.memref_slice %arg6[%dma_start3A_280] : memref<8x!tpu.dma_semaphore, #tpu.memory_space<semaphore_mem>> -> memref<1x!tpu.dma_semaphore, #tpu.memory_space<semaphore_mem>>
    %dma_start3A_286 = tpu.memref_squeeze %dma_start3A_285 : memref<1x!tpu.dma_semaphore, #tpu.memory_space<semaphore_mem>> -> memref<!tpu.dma_semaphore, #tpu.memory_space<semaphore_mem>>
    %dma_start3A_287 = tpu.memref_slice %arg3[%add3A_278] : memref<4194304xf32, #tpu.memory_space<hbm>> -> memref<16384xf32, #tpu.memory_space<hbm>>
    %dma_start3A_288 = arith.constant 0 : i32
    %dma_start3A_289 = tpu.memref_slice %arg4[%dma_start3A_279, %dma_start3A_288] : memref<4x16384xf32, #tpu.memory_space<vmem>> -> memref<1x16384xf32, #tpu.memory_space<vmem>>
    %dma_start3A_290 = tpu.memref_squeeze %dma_start3A_289 : memref<1x16384xf32, #tpu.memory_space<vmem>> -> memref<16384xf32, #tpu.memory_space<vmem>>
    tpu.enqueue_dma source(%dma_start3A_290 : memref<16384xf32, #tpu.memory_space<vmem>>) target(%dma_start3A_287 : memref<16384xf32, #tpu.memory_space<hbm>>) target_semaphore(%dma_start3A_286 : memref<!tpu.dma_semaphore, #tpu.memory_space<semaphore_mem>>)
    %dma_wait3A_291 = arith.constant 1 : i32
    %dma_wait3A_292 = arith.constant 5 : i32
    %dma_wait3A_293 = arith.constant 0 : i32
    %dma_wait3A_294 = tpu.memref_slice %arg4[%dma_wait3A_291, %dma_wait3A_293] : memref<4x16384xf32, #tpu.memory_space<vmem>> -> memref<1x16384xf32, #tpu.memory_space<vmem>>
    %dma_wait3A_295 = tpu.memref_squeeze %dma_wait3A_294 : memref<1x16384xf32, #tpu.memory_space<vmem>> -> memref<16384xf32, #tpu.memory_space<vmem>>
    %dma_wait3A_296 = tpu.memref_slice %arg2[%add3A_148] : memref<8388608xf32, #tpu.memory_space<hbm>> -> memref<16384xf32, #tpu.memory_space<hbm>>
    %dma_wait3A_297 = tpu.memref_slice %arg5[%dma_wait3A_292] : memref<8x!tpu.dma_semaphore, #tpu.memory_space<semaphore_mem>> -> memref<1x!tpu.dma_semaphore, #tpu.memory_space<semaphore_mem>>
    %dma_wait3A_298 = tpu.memref_squeeze %dma_wait3A_297 : memref<1x!tpu.dma_semaphore, #tpu.memory_space<semaphore_mem>> -> memref<!tpu.dma_semaphore, #tpu.memory_space<semaphore_mem>>
    %dma_wait3A_299 = arith.constant 0 : i32
    %dma_wait3A_300 = tpu.memref_slice %arg4[%dma_wait3A_291, %dma_wait3A_299] : memref<4x16384xf32, #tpu.memory_space<vmem>> -> memref<1x16384xf32, #tpu.memory_space<vmem>>
    %dma_wait3A_301 = tpu.memref_squeeze %dma_wait3A_300 : memref<1x16384xf32, #tpu.memory_space<vmem>> -> memref<16384xf32, #tpu.memory_space<vmem>>
    %dma_wait3A_302 = tpu.memref_slice %arg2[%add3A_148] : memref<8388608xf32, #tpu.memory_space<hbm>> -> memref<16384xf32, #tpu.memory_space<hbm>>
    tpu.wait_dma2 semaphore(%dma_wait3A_298 : memref<!tpu.dma_semaphore, #tpu.memory_space<semaphore_mem>>) src(%dma_wait3A_302 : memref<16384xf32, #tpu.memory_space<hbm>>) dst(%dma_wait3A_301 : memref<16384xf32, #tpu.memory_space<vmem>>)
    %add3A_303 = arith.constant 81920 : i32
    %add3A_304 = arith.addi %mul3A_2, %add3A_303 : i32
    %dma_start3A_305 = arith.constant 1 : i32
    %dma_start3A_306 = arith.constant 5 : i32
    %dma_start3A_307 = arith.constant 0 : i32
    %dma_start3A_308 = tpu.memref_slice %arg4[%dma_start3A_305, %dma_start3A_307] : memref<4x16384xf32, #tpu.memory_space<vmem>> -> memref<1x16384xf32, #tpu.memory_space<vmem>>
    %dma_start3A_309 = tpu.memref_squeeze %dma_start3A_308 : memref<1x16384xf32, #tpu.memory_space<vmem>> -> memref<16384xf32, #tpu.memory_space<vmem>>
    %dma_start3A_310 = tpu.memref_slice %arg3[%add3A_304] : memref<4194304xf32, #tpu.memory_space<hbm>> -> memref<16384xf32, #tpu.memory_space<hbm>>
    %dma_start3A_311 = tpu.memref_slice %arg6[%dma_start3A_306] : memref<8x!tpu.dma_semaphore, #tpu.memory_space<semaphore_mem>> -> memref<1x!tpu.dma_semaphore, #tpu.memory_space<semaphore_mem>>
    %dma_start3A_312 = tpu.memref_squeeze %dma_start3A_311 : memref<1x!tpu.dma_semaphore, #tpu.memory_space<semaphore_mem>> -> memref<!tpu.dma_semaphore, #tpu.memory_space<semaphore_mem>>
    %dma_start3A_313 = tpu.memref_slice %arg3[%add3A_304] : memref<4194304xf32, #tpu.memory_space<hbm>> -> memref<16384xf32, #tpu.memory_space<hbm>>
    %dma_start3A_314 = arith.constant 0 : i32
    %dma_start3A_315 = tpu.memref_slice %arg4[%dma_start3A_305, %dma_start3A_314] : memref<4x16384xf32, #tpu.memory_space<vmem>> -> memref<1x16384xf32, #tpu.memory_space<vmem>>
    %dma_start3A_316 = tpu.memref_squeeze %dma_start3A_315 : memref<1x16384xf32, #tpu.memory_space<vmem>> -> memref<16384xf32, #tpu.memory_space<vmem>>
    tpu.enqueue_dma source(%dma_start3A_316 : memref<16384xf32, #tpu.memory_space<vmem>>) target(%dma_start3A_313 : memref<16384xf32, #tpu.memory_space<hbm>>) target_semaphore(%dma_start3A_312 : memref<!tpu.dma_semaphore, #tpu.memory_space<semaphore_mem>>)
    %dma_wait3A_317 = arith.constant 2 : i32
    %dma_wait3A_318 = arith.constant 6 : i32
    %dma_wait3A_319 = arith.constant 0 : i32
    %dma_wait3A_320 = tpu.memref_slice %arg4[%dma_wait3A_317, %dma_wait3A_319] : memref<4x16384xf32, #tpu.memory_space<vmem>> -> memref<1x16384xf32, #tpu.memory_space<vmem>>
    %dma_wait3A_321 = tpu.memref_squeeze %dma_wait3A_320 : memref<1x16384xf32, #tpu.memory_space<vmem>> -> memref<16384xf32, #tpu.memory_space<vmem>>
    %dma_wait3A_322 = tpu.memref_slice %arg2[%add3A_200] : memref<8388608xf32, #tpu.memory_space<hbm>> -> memref<16384xf32, #tpu.memory_space<hbm>>
    %dma_wait3A_323 = tpu.memref_slice %arg5[%dma_wait3A_318] : memref<8x!tpu.dma_semaphore, #tpu.memory_space<semaphore_mem>> -> memref<1x!tpu.dma_semaphore, #tpu.memory_space<semaphore_mem>>
    %dma_wait3A_324 = tpu.memref_squeeze %dma_wait3A_323 : memref<1x!tpu.dma_semaphore, #tpu.memory_space<semaphore_mem>> -> memref<!tpu.dma_semaphore, #tpu.memory_space<semaphore_mem>>
    %dma_wait3A_325 = arith.constant 0 : i32
    %dma_wait3A_326 = tpu.memref_slice %arg4[%dma_wait3A_317, %dma_wait3A_325] : memref<4x16384xf32, #tpu.memory_space<vmem>> -> memref<1x16384xf32, #tpu.memory_space<vmem>>
    %dma_wait3A_327 = tpu.memref_squeeze %dma_wait3A_326 : memref<1x16384xf32, #tpu.memory_space<vmem>> -> memref<16384xf32, #tpu.memory_space<vmem>>
    %dma_wait3A_328 = tpu.memref_slice %arg2[%add3A_200] : memref<8388608xf32, #tpu.memory_space<hbm>> -> memref<16384xf32, #tpu.memory_space<hbm>>
    tpu.wait_dma2 semaphore(%dma_wait3A_324 : memref<!tpu.dma_semaphore, #tpu.memory_space<semaphore_mem>>) src(%dma_wait3A_328 : memref<16384xf32, #tpu.memory_space<hbm>>) dst(%dma_wait3A_327 : memref<16384xf32, #tpu.memory_space<vmem>>)
    %add3A_329 = arith.constant 98304 : i32
    %add3A_330 = arith.addi %mul3A_2, %add3A_329 : i32
    %dma_start3A_331 = arith.constant 2 : i32
    %dma_start3A_332 = arith.constant 6 : i32
    %dma_start3A_333 = arith.constant 0 : i32
    %dma_start3A_334 = tpu.memref_slice %arg4[%dma_start3A_331, %dma_start3A_333] : memref<4x16384xf32, #tpu.memory_space<vmem>> -> memref<1x16384xf32, #tpu.memory_space<vmem>>
    %dma_start3A_335 = tpu.memref_squeeze %dma_start3A_334 : memref<1x16384xf32, #tpu.memory_space<vmem>> -> memref<16384xf32, #tpu.memory_space<vmem>>
    %dma_start3A_336 = tpu.memref_slice %arg3[%add3A_330] : memref<4194304xf32, #tpu.memory_space<hbm>> -> memref<16384xf32, #tpu.memory_space<hbm>>
    %dma_start3A_337 = tpu.memref_slice %arg6[%dma_start3A_332] : memref<8x!tpu.dma_semaphore, #tpu.memory_space<semaphore_mem>> -> memref<1x!tpu.dma_semaphore, #tpu.memory_space<semaphore_mem>>
    %dma_start3A_338 = tpu.memref_squeeze %dma_start3A_337 : memref<1x!tpu.dma_semaphore, #tpu.memory_space<semaphore_mem>> -> memref<!tpu.dma_semaphore, #tpu.memory_space<semaphore_mem>>
    %dma_start3A_339 = tpu.memref_slice %arg3[%add3A_330] : memref<4194304xf32, #tpu.memory_space<hbm>> -> memref<16384xf32, #tpu.memory_space<hbm>>
    %dma_start3A_340 = arith.constant 0 : i32
    %dma_start3A_341 = tpu.memref_slice %arg4[%dma_start3A_331, %dma_start3A_340] : memref<4x16384xf32, #tpu.memory_space<vmem>> -> memref<1x16384xf32, #tpu.memory_space<vmem>>
    %dma_start3A_342 = tpu.memref_squeeze %dma_start3A_341 : memref<1x16384xf32, #tpu.memory_space<vmem>> -> memref<16384xf32, #tpu.memory_space<vmem>>
    tpu.enqueue_dma source(%dma_start3A_342 : memref<16384xf32, #tpu.memory_space<vmem>>) target(%dma_start3A_339 : memref<16384xf32, #tpu.memory_space<hbm>>) target_semaphore(%dma_start3A_338 : memref<!tpu.dma_semaphore, #tpu.memory_space<semaphore_mem>>)
    %dma_wait3A_343 = arith.constant 3 : i32
    %dma_wait3A_344 = arith.constant 7 : i32
    %dma_wait3A_345 = arith.constant 0 : i32
    %dma_wait3A_346 = tpu.memref_slice %arg4[%dma_wait3A_343, %dma_wait3A_345] : memref<4x16384xf32, #tpu.memory_space<vmem>> -> memref<1x16384xf32, #tpu.memory_space<vmem>>
    %dma_wait3A_347 = tpu.memref_squeeze %dma_wait3A_346 : memref<1x16384xf32, #tpu.memory_space<vmem>> -> memref<16384xf32, #tpu.memory_space<vmem>>
    %dma_wait3A_348 = tpu.memref_slice %arg2[%add3A_252] : memref<8388608xf32, #tpu.memory_space<hbm>> -> memref<16384xf32, #tpu.memory_space<hbm>>
    %dma_wait3A_349 = tpu.memref_slice %arg5[%dma_wait3A_344] : memref<8x!tpu.dma_semaphore, #tpu.memory_space<semaphore_mem>> -> memref<1x!tpu.dma_semaphore, #tpu.memory_space<semaphore_mem>>
    %dma_wait3A_350 = tpu.memref_squeeze %dma_wait3A_349 : memref<1x!tpu.dma_semaphore, #tpu.memory_space<semaphore_mem>> -> memref<!tpu.dma_semaphore, #tpu.memory_space<semaphore_mem>>
    %dma_wait3A_351 = arith.constant 0 : i32
    %dma_wait3A_352 = tpu.memref_slice %arg4[%dma_wait3A_343, %dma_wait3A_351] : memref<4x16384xf32, #tpu.memory_space<vmem>> -> memref<1x16384xf32, #tpu.memory_space<vmem>>
    %dma_wait3A_353 = tpu.memref_squeeze %dma_wait3A_352 : memref<1x16384xf32, #tpu.memory_space<vmem>> -> memref<16384xf32, #tpu.memory_space<vmem>>
    %dma_wait3A_354 = tpu.memref_slice %arg2[%add3A_252] : memref<8388608xf32, #tpu.memory_space<hbm>> -> memref<16384xf32, #tpu.memory_space<hbm>>
    tpu.wait_dma2 semaphore(%dma_wait3A_350 : memref<!tpu.dma_semaphore, #tpu.memory_space<semaphore_mem>>) src(%dma_wait3A_354 : memref<16384xf32, #tpu.memory_space<hbm>>) dst(%dma_wait3A_353 : memref<16384xf32, #tpu.memory_space<vmem>>)
    %add3A_355 = arith.constant 114688 : i32
    %add3A_356 = arith.addi %mul3A_2, %add3A_355 : i32
    %dma_start3A_357 = arith.constant 3 : i32
    %dma_start3A_358 = arith.constant 7 : i32
    %dma_start3A_359 = arith.constant 0 : i32
    %dma_start3A_360 = tpu.memref_slice %arg4[%dma_start3A_357, %dma_start3A_359] : memref<4x16384xf32, #tpu.memory_space<vmem>> -> memref<1x16384xf32, #tpu.memory_space<vmem>>
    %dma_start3A_361 = tpu.memref_squeeze %dma_start3A_360 : memref<1x16384xf32, #tpu.memory_space<vmem>> -> memref<16384xf32, #tpu.memory_space<vmem>>
    %dma_start3A_362 = tpu.memref_slice %arg3[%add3A_356] : memref<4194304xf32, #tpu.memory_space<hbm>> -> memref<16384xf32, #tpu.memory_space<hbm>>
    %dma_start3A_363 = tpu.memref_slice %arg6[%dma_start3A_358] : memref<8x!tpu.dma_semaphore, #tpu.memory_space<semaphore_mem>> -> memref<1x!tpu.dma_semaphore, #tpu.memory_space<semaphore_mem>>
    %dma_start3A_364 = tpu.memref_squeeze %dma_start3A_363 : memref<1x!tpu.dma_semaphore, #tpu.memory_space<semaphore_mem>> -> memref<!tpu.dma_semaphore, #tpu.memory_space<semaphore_mem>>
    %dma_start3A_365 = tpu.memref_slice %arg3[%add3A_356] : memref<4194304xf32, #tpu.memory_space<hbm>> -> memref<16384xf32, #tpu.memory_space<hbm>>
    %dma_start3A_366 = arith.constant 0 : i32
    %dma_start3A_367 = tpu.memref_slice %arg4[%dma_start3A_357, %dma_start3A_366] : memref<4x16384xf32, #tpu.memory_space<vmem>> -> memref<1x16384xf32, #tpu.memory_space<vmem>>
    %dma_start3A_368 = tpu.memref_squeeze %dma_start3A_367 : memref<1x16384xf32, #tpu.memory_space<vmem>> -> memref<16384xf32, #tpu.memory_space<vmem>>
    tpu.enqueue_dma source(%dma_start3A_368 : memref<16384xf32, #tpu.memory_space<vmem>>) target(%dma_start3A_365 : memref<16384xf32, #tpu.memory_space<hbm>>) target_semaphore(%dma_start3A_364 : memref<!tpu.dma_semaphore, #tpu.memory_space<semaphore_mem>>)
    %dma_wait3A_369 = arith.constant 0 : i32
    %dma_wait3A_370 = arith.constant 4 : i32
    %dma_wait3A_371 = arith.constant 0 : i32
    %dma_wait3A_372 = tpu.memref_slice %arg4[%dma_wait3A_369, %dma_wait3A_371] : memref<4x16384xf32, #tpu.memory_space<vmem>> -> memref<1x16384xf32, #tpu.memory_space<vmem>>
    %dma_wait3A_373 = tpu.memref_squeeze %dma_wait3A_372 : memref<1x16384xf32, #tpu.memory_space<vmem>> -> memref<16384xf32, #tpu.memory_space<vmem>>
    %dma_wait3A_374 = tpu.memref_slice %arg3[%add3A_278] : memref<4194304xf32, #tpu.memory_space<hbm>> -> memref<16384xf32, #tpu.memory_space<hbm>>
    %dma_wait3A_375 = tpu.memref_slice %arg6[%dma_wait3A_370] : memref<8x!tpu.dma_semaphore, #tpu.memory_space<semaphore_mem>> -> memref<1x!tpu.dma_semaphore, #tpu.memory_space<semaphore_mem>>
    %dma_wait3A_376 = tpu.memref_squeeze %dma_wait3A_375 : memref<1x!tpu.dma_semaphore, #tpu.memory_space<semaphore_mem>> -> memref<!tpu.dma_semaphore, #tpu.memory_space<semaphore_mem>>
    %dma_wait3A_377 = tpu.memref_slice %arg3[%add3A_278] : memref<4194304xf32, #tpu.memory_space<hbm>> -> memref<16384xf32, #tpu.memory_space<hbm>>
    %dma_wait3A_378 = arith.constant 0 : i32
    %dma_wait3A_379 = tpu.memref_slice %arg4[%dma_wait3A_369, %dma_wait3A_378] : memref<4x16384xf32, #tpu.memory_space<vmem>> -> memref<1x16384xf32, #tpu.memory_space<vmem>>
    %dma_wait3A_380 = tpu.memref_squeeze %dma_wait3A_379 : memref<1x16384xf32, #tpu.memory_space<vmem>> -> memref<16384xf32, #tpu.memory_space<vmem>>
    tpu.wait_dma2 semaphore(%dma_wait3A_376 : memref<!tpu.dma_semaphore, #tpu.memory_space<semaphore_mem>>) src(%dma_wait3A_380 : memref<16384xf32, #tpu.memory_space<vmem>>) dst(%dma_wait3A_377 : memref<16384xf32, #tpu.memory_space<hbm>>)
    %dma_wait3A_381 = arith.constant 1 : i32
    %dma_wait3A_382 = arith.constant 5 : i32
    %dma_wait3A_383 = arith.constant 0 : i32
    %dma_wait3A_384 = tpu.memref_slice %arg4[%dma_wait3A_381, %dma_wait3A_383] : memref<4x16384xf32, #tpu.memory_space<vmem>> -> memref<1x16384xf32, #tpu.memory_space<vmem>>
    %dma_wait3A_385 = tpu.memref_squeeze %dma_wait3A_384 : memref<1x16384xf32, #tpu.memory_space<vmem>> -> memref<16384xf32, #tpu.memory_space<vmem>>
    %dma_wait3A_386 = tpu.memref_slice %arg3[%add3A_304] : memref<4194304xf32, #tpu.memory_space<hbm>> -> memref<16384xf32, #tpu.memory_space<hbm>>
    %dma_wait3A_387 = tpu.memref_slice %arg6[%dma_wait3A_382] : memref<8x!tpu.dma_semaphore, #tpu.memory_space<semaphore_mem>> -> memref<1x!tpu.dma_semaphore, #tpu.memory_space<semaphore_mem>>
    %dma_wait3A_388 = tpu.memref_squeeze %dma_wait3A_387 : memref<1x!tpu.dma_semaphore, #tpu.memory_space<semaphore_mem>> -> memref<!tpu.dma_semaphore, #tpu.memory_space<semaphore_mem>>
    %dma_wait3A_389 = tpu.memref_slice %arg3[%add3A_304] : memref<4194304xf32, #tpu.memory_space<hbm>> -> memref<16384xf32, #tpu.memory_space<hbm>>
    %dma_wait3A_390 = arith.constant 0 : i32
    %dma_wait3A_391 = tpu.memref_slice %arg4[%dma_wait3A_381, %dma_wait3A_390] : memref<4x16384xf32, #tpu.memory_space<vmem>> -> memref<1x16384xf32, #tpu.memory_space<vmem>>
    %dma_wait3A_392 = tpu.memref_squeeze %dma_wait3A_391 : memref<1x16384xf32, #tpu.memory_space<vmem>> -> memref<16384xf32, #tpu.memory_space<vmem>>
    tpu.wait_dma2 semaphore(%dma_wait3A_388 : memref<!tpu.dma_semaphore, #tpu.memory_space<semaphore_mem>>) src(%dma_wait3A_392 : memref<16384xf32, #tpu.memory_space<vmem>>) dst(%dma_wait3A_389 : memref<16384xf32, #tpu.memory_space<hbm>>)
    %dma_wait3A_393 = arith.constant 2 : i32
    %dma_wait3A_394 = arith.constant 6 : i32
    %dma_wait3A_395 = arith.constant 0 : i32
    %dma_wait3A_396 = tpu.memref_slice %arg4[%dma_wait3A_393, %dma_wait3A_395] : memref<4x16384xf32, #tpu.memory_space<vmem>> -> memref<1x16384xf32, #tpu.memory_space<vmem>>
    %dma_wait3A_397 = tpu.memref_squeeze %dma_wait3A_396 : memref<1x16384xf32, #tpu.memory_space<vmem>> -> memref<16384xf32, #tpu.memory_space<vmem>>
    %dma_wait3A_398 = tpu.memref_slice %arg3[%add3A_330] : memref<4194304xf32, #tpu.memory_space<hbm>> -> memref<16384xf32, #tpu.memory_space<hbm>>
    %dma_wait3A_399 = tpu.memref_slice %arg6[%dma_wait3A_394] : memref<8x!tpu.dma_semaphore, #tpu.memory_space<semaphore_mem>> -> memref<1x!tpu.dma_semaphore, #tpu.memory_space<semaphore_mem>>
    %dma_wait3A_400 = tpu.memref_squeeze %dma_wait3A_399 : memref<1x!tpu.dma_semaphore, #tpu.memory_space<semaphore_mem>> -> memref<!tpu.dma_semaphore, #tpu.memory_space<semaphore_mem>>
    %dma_wait3A_401 = tpu.memref_slice %arg3[%add3A_330] : memref<4194304xf32, #tpu.memory_space<hbm>> -> memref<16384xf32, #tpu.memory_space<hbm>>
    %dma_wait3A_402 = arith.constant 0 : i32
    %dma_wait3A_403 = tpu.memref_slice %arg4[%dma_wait3A_393, %dma_wait3A_402] : memref<4x16384xf32, #tpu.memory_space<vmem>> -> memref<1x16384xf32, #tpu.memory_space<vmem>>
    %dma_wait3A_404 = tpu.memref_squeeze %dma_wait3A_403 : memref<1x16384xf32, #tpu.memory_space<vmem>> -> memref<16384xf32, #tpu.memory_space<vmem>>
    tpu.wait_dma2 semaphore(%dma_wait3A_400 : memref<!tpu.dma_semaphore, #tpu.memory_space<semaphore_mem>>) src(%dma_wait3A_404 : memref<16384xf32, #tpu.memory_space<vmem>>) dst(%dma_wait3A_401 : memref<16384xf32, #tpu.memory_space<hbm>>)
    %dma_wait3A_405 = arith.constant 3 : i32
    %dma_wait3A_406 = arith.constant 7 : i32
    %dma_wait3A_407 = arith.constant 0 : i32
    %dma_wait3A_408 = tpu.memref_slice %arg4[%dma_wait3A_405, %dma_wait3A_407] : memref<4x16384xf32, #tpu.memory_space<vmem>> -> memref<1x16384xf32, #tpu.memory_space<vmem>>
    %dma_wait3A_409 = tpu.memref_squeeze %dma_wait3A_408 : memref<1x16384xf32, #tpu.memory_space<vmem>> -> memref<16384xf32, #tpu.memory_space<vmem>>
    %dma_wait3A_410 = tpu.memref_slice %arg3[%add3A_356] : memref<4194304xf32, #tpu.memory_space<hbm>> -> memref<16384xf32, #tpu.memory_space<hbm>>
    %dma_wait3A_411 = tpu.memref_slice %arg6[%dma_wait3A_406] : memref<8x!tpu.dma_semaphore, #tpu.memory_space<semaphore_mem>> -> memref<1x!tpu.dma_semaphore, #tpu.memory_space<semaphore_mem>>
    %dma_wait3A_412 = tpu.memref_squeeze %dma_wait3A_411 : memref<1x!tpu.dma_semaphore, #tpu.memory_space<semaphore_mem>> -> memref<!tpu.dma_semaphore, #tpu.memory_space<semaphore_mem>>
    %dma_wait3A_413 = tpu.memref_slice %arg3[%add3A_356] : memref<4194304xf32, #tpu.memory_space<hbm>> -> memref<16384xf32, #tpu.memory_space<hbm>>
    %dma_wait3A_414 = arith.constant 0 : i32
    %dma_wait3A_415 = tpu.memref_slice %arg4[%dma_wait3A_405, %dma_wait3A_414] : memref<4x16384xf32, #tpu.memory_space<vmem>> -> memref<1x16384xf32, #tpu.memory_space<vmem>>
    %dma_wait3A_416 = tpu.memref_squeeze %dma_wait3A_415 : memref<1x16384xf32, #tpu.memory_space<vmem>> -> memref<16384xf32, #tpu.memory_space<vmem>>
    tpu.wait_dma2 semaphore(%dma_wait3A_412 : memref<!tpu.dma_semaphore, #tpu.memory_space<semaphore_mem>>) src(%dma_wait3A_416 : memref<16384xf32, #tpu.memory_space<vmem>>) dst(%dma_wait3A_413 : memref<16384xf32, #tpu.memory_space<hbm>>)
    return
  }
}

</mosaic_0001>

<sc_bundles>
// kernel: kernel.3.cloned.1.call-start
scs
__scs_entry_jumppad:
0x0: {  	(pc) =	sbr.rel $0x88, $3  }
0x1: {  	(tag) =	ssettag $0x0;
	lr =	simm.s32 $0x1  }
0x2: {  	[smem:$0x3FA0] =	sst lr;
	_ =	strace $0xD0000000  }
0x3: {  	_ = 	snop  }
0x4: {  	_ = 	snop  }
0x5: {  	_ = 	snop  }
0x6: {  	_ = 	snop  }
0x7: {  	_ = 	snop  }
__scs_overlays_trampoline_lowered:
0x8: {  	[smem:$0x3FAF] =	sst s0  }
0x9: {  	[smem:$0x3FB0] =	sst s1  }
0xa: {  	[smem:$0x3FB1] =	sst s2  }
0xb: {  	[smem:$0x3FB2] =	sst s3  }
0xc: {  	[smem:$0x3FB3] =	sst s4  }
0xd: {  	[smem:$0x3FB4] =	sst s5  }
0xe: {  	[smem:$0x3FB5] =	sst s6  }
0xf: {  	[smem:$0x3FB6] =	sst s7  }
0x10: {  	[smem:$0x3FB7] =	sst s8  }
0x11: {  	[smem:$0x3FB8] =	sst s9;
	s0 =	simm.s32 @!p0 $0x0  }
0x12: {  	s1 =	sld [smem:$0x3F9E];
	s0 =	simm.s32 @p0 $0x1  }
0x13: {  	[smem:$0x3FB9] =	sst s0;
	s0 =	simm.s32 @!p1 $0x0  }
0x14: {  	s2 =	sld [smem:$0x3F9D];
	s0 =	simm.s32 @p1 $0x1  }
0x15: {  	[smem:$0x3FBA] =	sst s0;
	s0 =	simm.s32 @!p2 $0x0  }
0x16: {  	s3 =	sld [smem:$0x3FDB];
	s0 =	simm.s32 @p2 $0x1  }
0x17: {  	s4 =	simm.s32 $0x1BF5;
	[smem:$0x3FBC] =	sst s0  }
0x18: {  	s0 =	sld [smem:$0x3F9F];
	_ =	swait.ge [sflag:s4], $0x0  }
0x19: {  	s7 =	sld [smem:$0x3FA0]  }
0x1a: {  	s8 =	sadd.s32 $0xFFFFE003, lr  }
0x1b: {  	s9 =	sadd.s32 $0xFFFFFEF7, lr;
	s5 =	simm.s32 $0xFFFFFFFF;
	p2 =	slt.u32 s8, $0xFFFFF086  }
0x1c: {  	p1 =	slt.u32 s9, $0xF7A;
	s5 =	simm.s32 @!p2 $0x0  }
0x1d: {  	s5 =	simm.s32 @p1 $0x1;
	p0 =	seq.s32 s7, s2  }
0x1e: {  	s7 =	smul.u32 @!p0 $0xF7A, s2;
	p2 =	seq.s32 @!p0 s5, $0x0  }
0x1f: {  	s9 =	smul.u32 $0xF7A, s1;
	s8 =	simm.s32 @!p0 $0x1BF5;
	p2 =	por !p2, p0  }
0x20: {  	[sflag:s8] =	ssyncset.s32 @!p0 $0xFFFFF086;
	s6 =	sadd.s32 @!p0 s3, s7;
	s7 =	simm.s32 @!p0 $0x108  }
0x21: {  	s3 =	sadd.s32 s3, s9;
	s6 =	sadd.s32 @!p0 $0x88, s6;
	s7 =	simm.s32 @p2 $0x1082  }
0x22: {  	[simem:s7], [sflag:s8] =	dma.local @!p0 [hbm:s6], $0xF7A  }
0x23: {  	s9 =	sor.u32 $0xD0000000, s2;
	s6 =	simm.s32 $0x108;
	_ =	swait.ge @!p0 [sflag:s8], $0x0  }
0x24: {  	s3 =	sadd.s32 $0x88, s3;
	s6 =	simm.s32 @!p1 $0x1082;
	[sflag:s4] =	ssyncset.s32 $0xFFFFF086  }
0x25: {  	[simem:s6], [sflag:s4] =	dma.local [hbm:s3], $0xF7A  }
0x26: {  	[smem:$0x3FA0] =	sst s1;
	(tag) =	ssettag s2;
	_ =	strace s9  }
0x27: {  	s1 =	sld [smem:$0x3FB0]  }
0x28: {  	s2 =	sld [smem:$0x3FB1]  }
0x29: {  	s4 =	sld [smem:$0x3FB3]  }
0x2a: {  	p0 =	seq.s32 s5, $0x0;
	s5 =	sld [smem:$0x3FB4]  }
0x2b: {  	s6 =	sld [smem:$0x3FB5]  }
0x2c: {  	s7 =	sld [smem:$0x3FB6]  }
0x2d: {  	s3 =	simm.s32 $0x108;
	s8 =	sld [smem:$0x3FB7]  }
0x2e: {  	s3 =	simm.s32 @!p0 $0x1082;
	s9 =	sld [smem:$0x3FB8]  }
0x2f: {  	lr =	sadd.s32 s0, s3;
	s0 =	sld [smem:$0x3FAF]  }
0x30: {  	s3 =	sld [smem:$0x3FB2]  }
0x31: {  	[smem:$0x3FBB] =	sst s10  }
0x32: {  	s10 =	sld [smem:$0x3FB9];
	_ =	sdelay $0x3  }
0x33: {  	p0 =	seq.s32 s10, $0x1;
	s10 =	sld [smem:$0x3FBB];
	_ =	sdelay $0x3  }
0x34: {  	[smem:$0x3FBB] =	sst s10  }
0x35: {  	s10 =	sld [smem:$0x3FBA];
	_ =	sdelay $0x3  }
0x36: {  	p1 =	seq.s32 s10, $0x1;
	s10 =	sld [smem:$0x3FBB];
	_ =	sdelay $0x3  }
0x37: {  	[smem:$0x3FBB] =	sst s10  }
0x38: {  	s10 =	sld [smem:$0x3FBC]  }
0x39: {  	_ = 	snop;
	(pc) =	sbr.ind lr, $3  }
0x3a: {  	_ = 	snop  }
0x3b: {  	_ = 	snop  }
0x3c: {  	p2 =	seq.s32 s10, $0x1;
	s10 =	sld [smem:$0x3FBB]  }
0x3d: {  	_ =	shalt  }
0x3e: {  	_ =	shalt  }
0x3f: {  	_ =	shalt  }
0x40: {  	_ =	shalt  }
0x41: {  	_ =	shalt  }
0x42: {  	_ =	shalt  }
0x43: {  	_ =	shalt  }
0x44: {  	_ =	shalt  }
0x45: {  	_ =	shalt  }
0x46: {  	_ =	shalt  }
0x47: {  	_ =	shalt  }
0x48: {  	_ =	shalt  }
0x49: {  	_ =	shalt  }
0x4a: {  	_ =	shalt  }
0x4b: {  	_ =	shalt  }
0x4c: {  	_ =	shalt  }
0x4d: {  	_ =	shalt  }
0x4e: {  	_ =	shalt  }
0x4f: {  	_ =	shalt  }
0x50: {  	_ =	shalt  }
0x51: {  	_ =	shalt  }
0x52: {  	_ =	shalt  }
0x53: {  	_ =	shalt  }
0x54: {  	_ =	shalt  }
0x55: {  	_ =	shalt  }
0x56: {  	_ =	shalt  }
0x57: {  	_ =	shalt  }
0x58: {  	_ =	shalt  }
0x59: {  	_ =	shalt  }
0x5a: {  	_ =	shalt  }
0x5b: {  	_ =	shalt  }
0x5c: {  	_ =	shalt  }
0x5d: {  	_ =	shalt  }
0x5e: {  	_ =	shalt  }
0x5f: {  	_ =	shalt  }
0x60: {  	_ =	shalt  }
0x61: {  	_ =	shalt  }
0x62: {  	_ =	shalt  }
0x63: {  	_ =	shalt  }
0x64: {  	_ =	shalt  }
0x65: {  	_ =	shalt  }
0x66: {  	_ =	shalt  }
0x67: {  	_ =	shalt  }
0x68: {  	_ =	shalt  }
0x69: {  	_ =	shalt  }
0x6a: {  	_ =	shalt  }
0x6b: {  	_ =	shalt  }
0x6c: {  	_ =	shalt  }
0x6d: {  	_ =	shalt  }
0x6e: {  	_ =	shalt  }
0x6f: {  	_ =	shalt  }
0x70: {  	_ =	shalt  }
0x71: {  	_ =	shalt  }
0x72: {  	_ =	shalt  }
0x73: {  	_ =	shalt  }
0x74: {  	_ =	shalt  }
0x75: {  	_ =	shalt  }
0x76: {  	_ =	shalt  }
0x77: {  	_ =	shalt  }
0x78: {  	_ =	shalt  }
0x79: {  	_ =	shalt  }
0x7a: {  	_ =	shalt  }
0x7b: {  	_ =	shalt  }
0x7c: {  	_ =	shalt  }
0x7d: {  	_ =	shalt  }
0x7e: {  	_ =	shalt  }
0x7f: {  	_ =	shalt  }
0x80: {  	_ =	shalt  }
0x81: {  	_ =	shalt  }
0x82: {  	_ =	shalt  }
0x83: {  	_ =	shalt  }
0x84: {  	_ =	shalt  }
0x85: {  	_ =	shalt  }
0x86: {  	_ =	shalt  }
0x87: {  	_ =	shalt  }
.Lfunc_end0:
.L_simem_size_0:
called_computation.1_lowered:
.L_overlay_start_0:
0x88: {  	s2 =	sld [smem:$0x3FD9]  }
0x89: {  	s3 =	sld [smem:$0x3FFE];
	_ =	sdelay $0x1  }
0x8a: {  	s1 =	srdreg.scid  }
0x8b: {  	s0 =	sand.u32 $0x1, s1  }
0x8c: {  	s16 =	sshll.u32 s0, $0xA;
	s2 =	sadd.s32 s3, s2  }
0x8d: {  	s2 =	sadd.s32 s2, s16  }
0x8e: {  	[smem:$0x3FC7] =	sst s2  }
0x8f: {  	_ = 	snop  }
0x90: {  	(tm) =	ssettm $0x1  }
0x91: {  	s17 =	sld [smem:$0x3FFB];
	_ =	sdelay $0x3  }
0x92: {  	_ =	strace s17  }
0x93: {  	s2 =	sld [smem:$0x3FFC];
	_ =	sdelay $0x3  }
0x94: {  	_ =	strace s2  }
0x95: {  	s2 =	sld [smem:$0x3FFD];
	_ =	sdelay $0x3  }
0x96: {  	_ =	strace s2  }
0x97: {  	_ =	strace $0x8FFFFFFF  }
0x98: {  	s18 =	sld [smem:$0x3FDB];
	_ =	sdelay $0x1  }
0x99: {  	s19 =	simm.s32 $_scs_section_size  }
0x9a: {  	s4 =	simm.s32 $_size__tile_overlayer_lowered;
	s5 =	simm.s32 $_tile_overlayer_lowered  }
0x9b: {  	s22 =	simm.s32 $0x1BFF;
	s21 =	sshll.u32 s5, $0x1;
	s2 =	sadd.s32 s19, s18  }
0x9c: {  	s6 =	simm.s32 $0x0;
	s20 =	sshll.u32 s4, $0x1;
	s4 =	sadd.s32 s21, s2  }
0x9d: {  	[timem:s6], [sflag:s22] =	dma.local [hbm:s4], s20  }
0x9e: {  	_ =	swait.ge [sflag:s22], s20  }
0x9f: {  	s3 =	ssub.s32 $0x0, s20;
	[sflag:s22] =	ssyncset.done $0x0  }
0xa0: {  	[sflag:s22] =	ssyncadd.s32 s3;
	_ =	sdelay $0x1  }
0xa1: {  	s23 =	simm.s32 $0x1B8B  }
0xa2: {  	_ =	swait.ge [sflag:s23], $0x1  }
0xa3: {  	[sflag:s23] =	ssyncset.done $0x0  }
0xa4: {  	s25 =	simm.s32 $0x1B8E;
	s24 =	sld [smem:$0x3FFE];
	[sflag:s23] =	ssyncadd.s32 $0xFFFFFFFF  }
0xa5: {  	s26 =	simm.s32 $execute0_lowered;
	[smem:$0x3FD2] =	sst s25  }
0xa6: {  	s4 =	sshll.u32 s26, $0x1;
	_ =	strace $0x80000049;
	[dreg:$0x1] =	wrdreg $0xFFFFFFFF  }
0xa7: {  	s28 =	simm.s32 $_size_execute0_lowered;
	s2 =	sadd.s32 s2, s4;
	[dreg:$0x0] =	wrdreg $0x0  }
0xa8: {  	s4 =	sshll.u32 s28, $0x1;
	[dreg:$0x2] =	wrdreg s2  }
0xa9: {  	[dreg:$0x3] =	wrdreg s4  }
0xaa: {  	[dreg:$0x4] =	wrdreg $0xC0  }
0xab: {  	_ =	task [dreg:s6], $0x5FFFF  }
0xac: {  	[dreg:$0x1] =	wrdreg $0xFFFFFFFF  }
0xad: {  	[dreg:$0x0] =	wrdreg $0x60  }
0xae: {  	[dreg:$0x2] =	wrdreg s24  }
0xaf: {  	[dreg:$0x3] =	wrdreg $0x9  }
0xb0: {  	_ =	task.clear_ibuf [dreg:s6], $0x4FFFF;
	_ =	strace $0x90000049  }
0xb1: {  	s29 =	simm.s32 $0x9;
	_ =	strace $0x8000004B  }
0xb2: {  	_ =	swait.ge [sflag:s29], $0x1  }
0xb3: {  	[sflag:s29] =	ssyncadd.s32 $0xFFFFFFFF  }
0xb4: {  	_ =	strace $0x9000004B  }
0xb5: {  	_ =	sfence  }
0xb6: {  	s30 =	sld [smem:$0x0];
	_ =	sdelay $0x2  }
0xb7: {  	s31 =	sshll.u32 s1, $0xD;
	s1 =	sshrl.u32 s1, $0x2  }
0xb8: {  	s3 =	sand.u32 $0x4000, s31;
	s1 =	sadd.s32 s1, s30  }
0xb9: {  	s0 =	sor.u32 s3, s0;
	s1 =	sshll.u32 s1, $0x11  }
0xba: {  	s0 =	sor.u32 s1, s0  }
0xbb: {  	s0 =	sadd.s32 $0x8F2B, s0  }
0xbc: {  	[sflag:s0] =	ssyncadd.remote.s32 $0x1  }
0xbd: {  	_ =	sfence.sel $0xFFFF  }
0xbe: {  	[dreg:$0x0] =	wrdreg $0xFFFFFFFF;
	(pc) =	sbr.abs _section_cstart, $3  }
0xbf: {  	[dreg:$0x1] =	wrdreg $0xFFFFFFFF  }
0xc0: {  	_ =	task.clear_ibuf [dreg:s6], $0x2FFFF;
	_ =	strace $0x9FFFFFFF  }
0xc1: {  	(tm) =	ssettm $0x7FFFFFFF  }
tec
execute0_lowered:
.L_overlay_start_1:
0x0: {  	(tag) =	ssettag $0x1  }
0x1: {  	s0 =	rddreg [dreg:$0x0];
	s1 =	simm.s32 $0x0  }
0x2: {  	s2 =	srdreg.scid;
	s4 =	stileid.u32;
	s28 =	simm.s32 $0xC  }
0x3: {  	s29 =	simm.s32 $0x5;
	s30 =	simm.s32 $0x6;
	s31 =	simm.s32 $0x7  }
0x4: {  	s20 =	simm.s32 $0xF;
	s21 =	simm.s32 $0x10;
	s22 =	simm.s32 $0x0  }
0x5: {  	[smem:$0x7FF] =	sst s1;
	s14 =	sadd.s32 $0x800, s0;
	s2 =	sand.u32 $0x1, s2  }
0x6: {  	s4 =	sshll.u32 s4, $0xF;
	s3 =	ssub.s32 $0x2, s2;
	s2 =	sshll.u32 s2, $0xE  }
0x7: {  	s0 =	sadd.s32 $0x100800, s0;
	s5 =	sshrl.u32 s3, $0x1;
	s2 =	sor.u32 s2, s4  }
0x8: {  	_ =	strace $0x8000004A;
	s19 =	ssub.s32 s3, s5;
	s3 =	sadd.s32 s14, s2  }
0x9: {  	s9 =	sor.u32 $0x800, s2;
	s11 =	sor.u32 $0x1000, s2;
	s13 =	sor.u32 $0x1800, s2  }
0xa: {  	s15 =	sor.u32 $0x2000, s2;
	s7 =	sadd.s32 s0, s2;
	s16 =	sor.u32 $0x2800, s2  }
0xb: {  	s17 =	sor.u32 $0x3000, s2;
	s2 =	sor.u32 $0x3800, s2;
	s4 =	sadd.s32 s14, s9  }
0xc: {  	s5 =	sadd.s32 s14, s11;
	s6 =	sadd.s32 s14, s13;
	s8 =	sadd.s32 s14, s15  }
0xd: {  	s9 =	sadd.s32 s0, s9;
	s10 =	sadd.s32 s14, s16;
	s11 =	sadd.s32 s0, s11  }
0xe: {  	s12 =	sadd.s32 s14, s17;
	s13 =	sadd.s32 s0, s13;
	s14 =	sadd.s32 s14, s2  }
0xf: {  	s15 =	sadd.s32 s0, s15;
	s16 =	sadd.s32 s0, s16;
	s17 =	sadd.s32 s0, s17  }
0x10: {  	s18 =	sadd.s32 s0, s2;
	s26 =	smax.u32 s19, $0x1;
	s0 =	simm.s32 $0x8  }
0x11: {  	s2 =	simm.s32 $0xD;
	s19 =	simm.s32 $0xE;
	[dreg:$0x2] =	wrdreg s26  }
.LBB2_1:
0x12: {  	s23 =	simm.s32 $0x10  }
0x13: {  	s26 =	sadd.s32 $0x0, s3;
	s24 =	simm.s32 $0x200;
	s25 =	simm.s32 $0x0  }
.LBB2_2:
0x14: {  	[tilespmem:s25], [sflag:$0x1] =	stream.linear.gather [hbm4b:s26+s1], $0x80, $0x38;
	[tilespmem:$0x10000] =	vst v63  }
0x15: {  	s26 =	smov.u32 s23;
	s25 =	smov.u32 s24;
	p0 =	sne.s32 s23, $0x7F0  }
.Ltmp0:
0x16: {  	s23 =	sadd.s32 $0x10, s23;
	(pc) =	sbr.rel @p0 .LBB2_2-.Ltmp0, $2  }
0x17: {  	_ =	sdelay $0x2  }
0x18: {  	s24 =	sadd.s32 $0x200, s24;
	s26 =	sadd.s32 s26, s3  }
0x19: {  	[tilespmem:s25], [sflag:$0x1] =	stream.linear.gather [hbm4b:s26+s1], $0x80, $0x38;
	[tilespmem:$0x10000] =	vst v63  }
0x1a: {  	s23 =	simm.s32 $0x80  }
0x1b: {  	s24 =	simm.s32 $0x10;
	s26 =	sadd.s32 $0x0, s4;
	s25 =	simm.s32 $0x280  }
.LBB2_4:
0x1c: {  	[tilespmem:s23], [sflag:$0x2] =	stream.linear.gather [hbm4b:s26+s1], $0x80, $0x38;
	[tilespmem:$0x10000] =	vst v63  }
0x1d: {  	s26 =	smov.u32 s24;
	s23 =	smov.u32 s25;
	p0 =	sne.s32 s24, $0x7F0  }
.Ltmp1:
0x1e: {  	s24 =	sadd.s32 $0x10, s24;
	(pc) =	sbr.rel @p0 .LBB2_4-.Ltmp1, $2  }
0x1f: {  	_ =	sdelay $0x2  }
0x20: {  	s25 =	sadd.s32 $0x200, s25;
	s26 =	sadd.s32 s26, s4  }
0x21: {  	[tilespmem:s23], [sflag:$0x2] =	stream.linear.gather [hbm4b:s26+s1], $0x80, $0x38;
	[tilespmem:$0x10000] =	vst v63  }
0x22: {  	s23 =	simm.s32 $0x100  }
0x23: {  	s24 =	simm.s32 $0x10;
	s26 =	sadd.s32 $0x0, s5;
	s25 =	simm.s32 $0x300  }
.LBB2_6:
0x24: {  	[tilespmem:s23], [sflag:$0x3] =	stream.linear.gather [hbm4b:s26+s1], $0x80, $0x38;
	[tilespmem:$0x10000] =	vst v63  }
0x25: {  	s26 =	smov.u32 s24;
	s23 =	smov.u32 s25;
	p0 =	sne.s32 s24, $0x7F0  }
.Ltmp2:
0x26: {  	s24 =	sadd.s32 $0x10, s24;
	(pc) =	sbr.rel @p0 .LBB2_6-.Ltmp2, $2  }
0x27: {  	_ =	sdelay $0x2  }
0x28: {  	s25 =	sadd.s32 $0x200, s25;
	s26 =	sadd.s32 s26, s5  }
0x29: {  	[tilespmem:s23], [sflag:$0x3] =	stream.linear.gather [hbm4b:s26+s1], $0x80, $0x38;
	[tilespmem:$0x10000] =	vst v63  }
0x2a: {  	s23 =	simm.s32 $0x180  }
0x2b: {  	s24 =	simm.s32 $0x10;
	s26 =	sadd.s32 $0x0, s6;
	s25 =	simm.s32 $0x380  }
.LBB2_8:
0x2c: {  	[tilespmem:s23], [sflag:$0x4] =	stream.linear.gather [hbm4b:s26+s1], $0x80, $0x38;
	[tilespmem:$0x10000] =	vst v63  }
0x2d: {  	s26 =	smov.u32 s24;
	s23 =	smov.u32 s25;
	p0 =	sne.s32 s24, $0x7F0  }
.Ltmp3:
0x2e: {  	s24 =	sadd.s32 $0x10, s24;
	(pc) =	sbr.rel @p0 .LBB2_8-.Ltmp3, $2  }
0x2f: {  	_ =	sdelay $0x2  }
0x30: {  	s25 =	sadd.s32 $0x200, s25;
	s26 =	sadd.s32 s26, s6  }
0x31: {  	[tilespmem:s23], [sflag:$0x4] =	stream.linear.gather [hbm4b:s26+s1], $0x80, $0x38;
	[tilespmem:$0x10000] =	vst v63  }
0x32: {  	s26 =	simm.s32 $0x1  }
0x33: {  	_ =	swait.ge [sflag:s26], $0x4000  }
0x34: {  	s23 =	simm.s32 $0x0;
	s24 =	simm.s32 $0x10;
	[sflag:s26] =	ssyncset.done $0x0  }
0x35: {  	s25 =	simm.s32 $0x200;
	[sflag:s26] =	ssyncadd.s32 $0xFFFFC000;
	s26 =	sadd.s32 $0x0, s7  }
.LBB2_10:
0x36: {  	[hbm4b:s26+s1] =	stream.linear.scatter [tilespmem:s23], [sflag:$0x9], $0x80, $0x38;
	[tilespmem:$0x10000] =	vst v63  }
0x37: {  	s26 =	smov.u32 s24;
	s23 =	smov.u32 s25;
	p0 =	sne.s32 s24, $0x7F0  }
.Ltmp4:
0x38: {  	s24 =	sadd.s32 $0x10, s24;
	(pc) =	sbr.rel @p0 .LBB2_10-.Ltmp4, $2  }
0x39: {  	_ =	sdelay $0x2  }
0x3a: {  	s25 =	sadd.s32 $0x200, s25;
	s26 =	sadd.s32 s26, s7  }
0x3b: {  	[hbm4b:s26+s1] =	stream.linear.scatter [tilespmem:s23], [sflag:$0x9], $0x80, $0x38;
	[tilespmem:$0x10000] =	vst v63  }
0x3c: {  	s26 =	simm.s32 $0x9  }
0x3d: {  	_ =	swait.ge [sflag:s26], $0x4000  }
0x3e: {  	s23 =	simm.s32 $0x0;
	s24 =	simm.s32 $0x10;
	[sflag:s26] =	ssyncset.done $0x0  }
0x3f: {  	s25 =	simm.s32 $0x200;
	[sflag:s26] =	ssyncadd.s32 $0xFFFFC000;
	s26 =	sadd.s32 $0x0, s8  }
.LBB2_12:
0x40: {  	[tilespmem:s23], [sflag:$0x5] =	stream.linear.gather [hbm4b:s26+s1], $0x80, $0x38;
	[tilespmem:$0x10000] =	vst v63  }
0x41: {  	s26 =	smov.u32 s24;
	s23 =	smov.u32 s25;
	p0 =	sne.s32 s24, $0x7F0  }
.Ltmp5:
0x42: {  	s24 =	sadd.s32 $0x10, s24;
	(pc) =	sbr.rel @p0 .LBB2_12-.Ltmp5, $2  }
0x43: {  	_ =	sdelay $0x2  }
0x44: {  	s25 =	sadd.s32 $0x200, s25;
	s26 =	sadd.s32 s26, s8  }
0x45: {  	[tilespmem:s23], [sflag:$0x5] =	stream.linear.gather [hbm4b:s26+s1], $0x80, $0x38;
	[tilespmem:$0x10000] =	vst v63  }
0x46: {  	s26 =	simm.s32 $0x2  }
0x47: {  	_ =	swait.ge [sflag:s26], $0x4000  }
0x48: {  	s23 =	simm.s32 $0x80;
	s24 =	simm.s32 $0x10;
	[sflag:s26] =	ssyncset.done $0x0  }
0x49: {  	s25 =	simm.s32 $0x280;
	[sflag:s26] =	ssyncadd.s32 $0xFFFFC000;
	s26 =	sadd.s32 $0x0, s9  }
.LBB2_14:
0x4a: {  	[hbm4b:s26+s1] =	stream.linear.scatter [tilespmem:s23], [sflag:$0xA], $0x80, $0x38;
	[tilespmem:$0x10000] =	vst v63  }
0x4b: {  	s26 =	smov.u32 s24;
	s23 =	smov.u32 s25;
	p0 =	sne.s32 s24, $0x7F0  }
.Ltmp6:
0x4c: {  	s24 =	sadd.s32 $0x10, s24;
	(pc) =	sbr.rel @p0 .LBB2_14-.Ltmp6, $2  }
0x4d: {  	_ =	sdelay $0x2  }
0x4e: {  	s25 =	sadd.s32 $0x200, s25;
	s26 =	sadd.s32 s26, s9  }
0x4f: {  	[hbm4b:s26+s1] =	stream.linear.scatter [tilespmem:s23], [sflag:$0xA], $0x80, $0x38;
	[tilespmem:$0x10000] =	vst v63  }
0x50: {  	s26 =	simm.s32 $0xA  }
0x51: {  	_ =	swait.ge [sflag:s26], $0x4000  }
0x52: {  	s23 =	simm.s32 $0x80;
	s24 =	simm.s32 $0x10;
	[sflag:s26] =	ssyncset.done $0x0  }
0x53: {  	s25 =	simm.s32 $0x280;
	[sflag:s26] =	ssyncadd.s32 $0xFFFFC000;
	s26 =	sadd.s32 $0x0, s10  }
.LBB2_16:
0x54: {  	[tilespmem:s23], [sflag:$0x6] =	stream.linear.gather [hbm4b:s26+s1], $0x80, $0x38;
	[tilespmem:$0x10000] =	vst v63  }
0x55: {  	s26 =	smov.u32 s24;
	s23 =	smov.u32 s25;
	p0 =	sne.s32 s24, $0x7F0  }
.Ltmp7:
0x56: {  	s24 =	sadd.s32 $0x10, s24;
	(pc) =	sbr.rel @p0 .LBB2_16-.Ltmp7, $2  }
0x57: {  	_ =	sdelay $0x2  }
0x58: {  	s25 =	sadd.s32 $0x200, s25;
	s26 =	sadd.s32 s26, s10  }
0x59: {  	[tilespmem:s23], [sflag:$0x6] =	stream.linear.gather [hbm4b:s26+s1], $0x80, $0x38;
	[tilespmem:$0x10000] =	vst v63  }
0x5a: {  	s26 =	simm.s32 $0x3  }
0x5b: {  	_ =	swait.ge [sflag:s26], $0x4000  }
0x5c: {  	s23 =	simm.s32 $0x100;
	s24 =	simm.s32 $0x10;
	[sflag:s26] =	ssyncset.done $0x0  }
0x5d: {  	s25 =	simm.s32 $0x300;
	[sflag:s26] =	ssyncadd.s32 $0xFFFFC000;
	s26 =	sadd.s32 $0x0, s11  }
.LBB2_18:
0x5e: {  	[hbm4b:s26+s1] =	stream.linear.scatter [tilespmem:s23], [sflag:$0xB], $0x80, $0x38;
	[tilespmem:$0x10000] =	vst v63  }
0x5f: {  	s26 =	smov.u32 s24;
	s23 =	smov.u32 s25;
	p0 =	sne.s32 s24, $0x7F0  }
.Ltmp8:
0x60: {  	s24 =	sadd.s32 $0x10, s24;
	(pc) =	sbr.rel @p0 .LBB2_18-.Ltmp8, $2  }
0x61: {  	_ =	sdelay $0x2  }
0x62: {  	s25 =	sadd.s32 $0x200, s25;
	s26 =	sadd.s32 s26, s11  }
0x63: {  	[hbm4b:s26+s1] =	stream.linear.scatter [tilespmem:s23], [sflag:$0xB], $0x80, $0x38;
	[tilespmem:$0x10000] =	vst v63  }
0x64: {  	s26 =	simm.s32 $0xB  }
0x65: {  	_ =	swait.ge [sflag:s26], $0x4000  }
0x66: {  	s23 =	simm.s32 $0x100;
	s24 =	simm.s32 $0x10;
	[sflag:s26] =	ssyncset.done $0x0  }
0x67: {  	s25 =	simm.s32 $0x300;
	[sflag:s26] =	ssyncadd.s32 $0xFFFFC000;
	s26 =	sadd.s32 $0x0, s12  }
.LBB2_20:
0x68: {  	[tilespmem:s23], [sflag:$0x7] =	stream.linear.gather [hbm4b:s26+s1], $0x80, $0x38;
	[tilespmem:$0x10000] =	vst v63  }
0x69: {  	s26 =	smov.u32 s24;
	s23 =	smov.u32 s25;
	p0 =	sne.s32 s24, $0x7F0  }
.Ltmp9:
0x6a: {  	s24 =	sadd.s32 $0x10, s24;
	(pc) =	sbr.rel @p0 .LBB2_20-.Ltmp9, $2  }
0x6b: {  	_ =	sdelay $0x2  }
0x6c: {  	s25 =	sadd.s32 $0x200, s25;
	s26 =	sadd.s32 s26, s12  }
0x6d: {  	[tilespmem:s23], [sflag:$0x7] =	stream.linear.gather [hbm4b:s26+s1], $0x80, $0x38;
	[tilespmem:$0x10000] =	vst v63  }
0x6e: {  	s26 =	simm.s32 $0x4  }
0x6f: {  	_ =	swait.ge [sflag:s26], $0x4000  }
0x70: {  	s23 =	simm.s32 $0x180;
	s24 =	simm.s32 $0x10;
	[sflag:s26] =	ssyncset.done $0x0  }
0x71: {  	s25 =	simm.s32 $0x380;
	[sflag:s26] =	ssyncadd.s32 $0xFFFFC000;
	s26 =	sadd.s32 $0x0, s13  }
.LBB2_22:
0x72: {  	[hbm4b:s26+s1] =	stream.linear.scatter [tilespmem:s23], [sflag:$0xC], $0x80, $0x38;
	[tilespmem:$0x10000] =	vst v63  }
0x73: {  	s26 =	smov.u32 s24;
	s23 =	smov.u32 s25;
	p0 =	sne.s32 s24, $0x7F0  }
.Ltmp10:
0x74: {  	s24 =	sadd.s32 $0x10, s24;
	(pc) =	sbr.rel @p0 .LBB2_22-.Ltmp10, $2  }
0x75: {  	_ =	sdelay $0x2  }
0x76: {  	s25 =	sadd.s32 $0x200, s25;
	s26 =	sadd.s32 s26, s13  }
0x77: {  	[hbm4b:s26+s1] =	stream.linear.scatter [tilespmem:s23], [sflag:$0xC], $0x80, $0x38;
	[tilespmem:$0x10000] =	vst v63  }
0x78: {  	_ =	swait.ge [sflag:s28], $0x4000  }
0x79: {  	s23 =	simm.s32 $0x180;
	s24 =	simm.s32 $0x10;
	[sflag:s28] =	ssyncset.done $0x0  }
0x7a: {  	s26 =	sadd.s32 $0x0, s14;
	s25 =	simm.s32 $0x380;
	[sflag:s28] =	ssyncadd.s32 $0xFFFFC000  }
.LBB2_24:
0x7b: {  	[tilespmem:s23], [sflag:$0x8] =	stream.linear.gather [hbm4b:s26+s1], $0x80, $0x38;
	[tilespmem:$0x10000] =	vst v63  }
0x7c: {  	s26 =	smov.u32 s24;
	s23 =	smov.u32 s25;
	p0 =	sne.s32 s24, $0x7F0  }
.Ltmp11:
0x7d: {  	s24 =	sadd.s32 $0x10, s24;
	(pc) =	sbr.rel @p0 .LBB2_24-.Ltmp11, $2  }
0x7e: {  	_ =	sdelay $0x2  }
0x7f: {  	s25 =	sadd.s32 $0x200, s25;
	s26 =	sadd.s32 s26, s14  }
0x80: {  	[tilespmem:s23], [sflag:$0x8] =	stream.linear.gather [hbm4b:s26+s1], $0x80, $0x38;
	[tilespmem:$0x10000] =	vst v63  }
0x81: {  	_ =	swait.ge [sflag:s29], $0x4000  }
0x82: {  	s23 =	simm.s32 $0x0;
	s24 =	simm.s32 $0x10;
	[sflag:s29] =	ssyncset.done $0x0  }
0x83: {  	s26 =	sadd.s32 $0x0, s15;
	s25 =	simm.s32 $0x200;
	[sflag:s29] =	ssyncadd.s32 $0xFFFFC000  }
.LBB2_26:
0x84: {  	[hbm4b:s26+s1] =	stream.linear.scatter [tilespmem:s23], [sflag:$0xD], $0x80, $0x38;
	[tilespmem:$0x10000] =	vst v63  }
0x85: {  	s26 =	smov.u32 s24;
	s23 =	smov.u32 s25;
	p0 =	sne.s32 s24, $0x7F0  }
.Ltmp12:
0x86: {  	s24 =	sadd.s32 $0x10, s24;
	(pc) =	sbr.rel @p0 .LBB2_26-.Ltmp12, $2  }
0x87: {  	_ =	sdelay $0x2  }
0x88: {  	s25 =	sadd.s32 $0x200, s25;
	s26 =	sadd.s32 s26, s15  }
0x89: {  	[hbm4b:s26+s1] =	stream.linear.scatter [tilespmem:s23], [sflag:$0xD], $0x80, $0x38;
	[tilespmem:$0x10000] =	vst v63  }
0x8a: {  	_ =	swait.ge [sflag:s30], $0x4000  }
0x8b: {  	s23 =	simm.s32 $0x80;
	s24 =	simm.s32 $0x10;
	[sflag:s30] =	ssyncset.done $0x0  }
0x8c: {  	s26 =	sadd.s32 $0x0, s16;
	s25 =	simm.s32 $0x280;
	[sflag:s30] =	ssyncadd.s32 $0xFFFFC000  }
.LBB2_28:
0x8d: {  	[hbm4b:s26+s1] =	stream.linear.scatter [tilespmem:s23], [sflag:$0xE], $0x80, $0x38;
	[tilespmem:$0x10000] =	vst v63  }
0x8e: {  	s26 =	smov.u32 s24;
	s23 =	smov.u32 s25;
	p0 =	sne.s32 s24, $0x7F0  }
.Ltmp13:
0x8f: {  	s24 =	sadd.s32 $0x10, s24;
	(pc) =	sbr.rel @p0 .LBB2_28-.Ltmp13, $2  }
0x90: {  	_ =	sdelay $0x2  }
0x91: {  	s25 =	sadd.s32 $0x200, s25;
	s26 =	sadd.s32 s26, s16  }
0x92: {  	[hbm4b:s26+s1] =	stream.linear.scatter [tilespmem:s23], [sflag:$0xE], $0x80, $0x38;
	[tilespmem:$0x10000] =	vst v63  }
0x93: {  	_ =	swait.ge [sflag:s31], $0x4000  }
0x94: {  	s23 =	simm.s32 $0x100;
	s24 =	simm.s32 $0x10;
	[sflag:s31] =	ssyncset.done $0x0  }
0x95: {  	s26 =	sadd.s32 $0x0, s17;
	s25 =	simm.s32 $0x300;
	[sflag:s31] =	ssyncadd.s32 $0xFFFFC000  }
.LBB2_30:
0x96: {  	[hbm4b:s26+s1] =	stream.linear.scatter [tilespmem:s23], [sflag:$0xF], $0x80, $0x38;
	[tilespmem:$0x10000] =	vst v63  }
0x97: {  	s26 =	smov.u32 s24;
	s23 =	smov.u32 s25;
	p0 =	sne.s32 s24, $0x7F0  }
.Ltmp14:
0x98: {  	s24 =	sadd.s32 $0x10, s24;
	(pc) =	sbr.rel @p0 .LBB2_30-.Ltmp14, $2  }
0x99: {  	_ =	sdelay $0x2  }
0x9a: {  	s25 =	sadd.s32 $0x200, s25;
	s26 =	sadd.s32 s26, s17  }
0x9b: {  	[hbm4b:s26+s1] =	stream.linear.scatter [tilespmem:s23], [sflag:$0xF], $0x80, $0x38;
	[tilespmem:$0x10000] =	vst v63  }
0x9c: {  	_ =	swait.ge [sflag:s0], $0x4000  }
0x9d: {  	s23 =	simm.s32 $0x180;
	s24 =	simm.s32 $0x10;
	[sflag:s0] =	ssyncset.done $0x0  }
0x9e: {  	s26 =	sadd.s32 $0x0, s18;
	s25 =	simm.s32 $0x380;
	[sflag:s0] =	ssyncadd.s32 $0xFFFFC000  }
.LBB2_32:
0x9f: {  	[hbm4b:s26+s1] =	stream.linear.scatter [tilespmem:s23], [sflag:$0x10], $0x80, $0x38;
	[tilespmem:$0x10000] =	vst v63  }
0xa0: {  	s26 =	smov.u32 s24;
	s23 =	smov.u32 s25;
	p0 =	sne.s32 s24, $0x7F0  }
.Ltmp15:
0xa1: {  	s24 =	sadd.s32 $0x10, s24;
	(pc) =	sbr.rel @p0 .LBB2_32-.Ltmp15, $2  }
0xa2: {  	_ =	sdelay $0x2  }
0xa3: {  	s25 =	sadd.s32 $0x200, s25;
	s26 =	sadd.s32 s26, s18  }
0xa4: {  	[hbm4b:s26+s1] =	stream.linear.scatter [tilespmem:s23], [sflag:$0x10], $0x80, $0x38;
	[tilespmem:$0x10000] =	vst v63  }
0xa5: {  	_ =	swait.ge [sflag:s2], $0x4000  }
0xa6: {  	[sflag:s2] =	ssyncset.done $0x0  }
0xa7: {  	[sflag:s2] =	ssyncadd.s32 $0xFFFFC000  }
0xa8: {  	_ =	swait.ge [sflag:s19], $0x4000  }
0xa9: {  	[sflag:s19] =	ssyncset.done $0x0  }
0xaa: {  	[sflag:s19] =	ssyncadd.s32 $0xFFFFC000  }
0xab: {  	_ =	swait.ge [sflag:s20], $0x4000  }
0xac: {  	[sflag:s20] =	ssyncset.done $0x0  }
0xad: {  	[sflag:s20] =	ssyncadd.s32 $0xFFFFC000  }
0xae: {  	_ =	swait.ge [sflag:s21], $0x4000  }
0xaf: {  	s22 =	sadd.s32 $0x1, s22;
	s26 =	rddreg [dreg:$0x2]  }
0xb0: {  	p0 =	sne.s32 s22, s26  }
.Ltmp16:
0xb1: {  	_ = 	snop;
	(pc) =	sbr.rel @p0 .LBB2_1-.Ltmp16, $3  }
0xb2: {  	_ =	sdelay $0x1  }
0xb3: {  	[sflag:s21] =	ssyncset.done $0x0  }
0xb4: {  	[sflag:s21] =	ssyncadd.s32 $0xFFFFC000  }
0xb5: {  	_ =	sfence.sel $0x180000  }
0xb6: {  	[bflag:$0x0] =	sbarrier.arrive $0xFFFF  }
0xb7: {  	_ =	strace $0x9000004A  }
0xb8: {  	s0 =	stileid.u32;
	[bflag:$0x2] =	sbarrier.arrive $0xFFFF  }
0xb9: {  	p0 =	sne.s32 s0, $0x0;
	s0 =	rddreg [dreg:$0x1]  }
0xba: {  	s0 =	sadd.s32 @!p0 $0x100000, s0  }
0xbb: {  	[sflag:s0] =	ssyncadd.tile.s32 @!p0 $0x1;
	_ =	shalt  }
.Lfunc_end2:
_tile_overlayer_lowered:
.L_overlay_start_2:
0xbc: {  	(tag) =	ssettag $0x2  }
0xbd: {  	s0 =	rddreg [dreg:$0x0];
	s2 =	stileid.u32  }
0xbe: {  	s1 =	rddreg [dreg:$0x1];
	p0 =	sne.s32 s2, $0x0  }
0xbf: {  	s3 =	rddreg [dreg:$0x2];
	[bflag:$0x3] =	sbarrier.arrive $0xFFFF;
	s2 =	simm.s32 @!p0 $0x1C11  }
0xc0: {  	[timem:s3], [sflag:s2] =	dma.local @!p0 [hbm:s0], s1  }
0xc1: {  	s0 =	simm.s32 @!p0 $0x11  }
0xc2: {  	_ =	swait.ge @!p0 [sflag:s0], s1  }
0xc3: {  	s1 =	ssub.s32 @!p0 $0x0, s1;
	[sflag:s0] =	ssyncset.done @!p0 $0x0  }
0xc4: {  	[sflag:s0] =	ssyncadd.s32 @!p0 s1  }
0xc5: {  	[bflag:$0x3] =	sbarrier.arrive $0xFFFF  }
0xc6: {  	_ =	shalt  }

// kernel: sparse-core-data-format-call.cloned.1.call-start
scs
called_computation_lowered:
.L_overlay_start_0:
0x0: {  	s2 =	sld [smem:$0x3FD9]  }
0x1: {  	s3 =	sld [smem:$0x3FFE];
	_ =	sdelay $0x1  }
0x2: {  	s1 =	srdreg.scid  }
0x3: {  	s0 =	sand.u32 $0x1, s1  }
0x4: {  	s18 =	sshll.u32 s0, $0xA;
	s2 =	sadd.s32 s3, s2  }
0x5: {  	s2 =	sadd.s32 s2, s18  }
0x6: {  	[smem:$0x3FC7] =	sst s2  }
0x7: {  	_ = 	snop  }
0x8: {  	s2 =	sld [smem:$0x3FC9];
	(tm) =	ssettm $0x1  }
0x9: {  	s19 =	sld [smem:$0x3FFB];
	_ =	sdelay $0x3  }
0xa: {  	_ =	strace s19  }
0xb: {  	s3 =	sld [smem:$0x3FFC];
	_ =	sdelay $0x3  }
0xc: {  	_ =	strace s3  }
0xd: {  	s3 =	sld [smem:$0x3FFD];
	_ =	sdelay $0x3  }
0xe: {  	_ =	strace s3  }
0xf: {  	_ =	strace $0x8FFFFFFF  }
0x10: {  	s20 =	sld [smem:$0x3FDB];
	_ =	sdelay $0x1  }
0x11: {  	s4 =	simm.s32 $_scs_section_size  }
0x12: {  	s5 =	simm.s32 $_size__tile_overlayer_lowered;
	s6 =	simm.s32 $_tile_overlayer_lowered  }
0x13: {  	s23 =	simm.s32 $0x1BFF;
	s22 =	sshll.u32 s6, $0x1;
	s3 =	sadd.s32 s4, s20  }
0x14: {  	s7 =	simm.s32 $0x0;
	s21 =	sshll.u32 s5, $0x1;
	s5 =	sadd.s32 s22, s3  }
0x15: {  	[timem:s7], [sflag:s23] =	dma.local [hbm:s5], s21  }
0x16: {  	_ =	swait.ge [sflag:s23], s21  }
0x17: {  	s4 =	ssub.s32 $0x0, s21;
	[sflag:s23] =	ssyncset.done $0x0  }
0x18: {  	[sflag:s23] =	ssyncadd.s32 s4;
	_ =	sdelay $0x1  }
0x19: {  	s24 =	simm.s32 $0x1B8B  }
0x1a: {  	_ =	swait.ge [sflag:s24], $0x1  }
0x1b: {  	[sflag:s24] =	ssyncset.done $0x0  }
0x1c: {  	s26 =	simm.s32 $0x1B8E;
	s25 =	sld [smem:$0x3FFE];
	[sflag:s24] =	ssyncadd.s32 $0xFFFFFFFF  }
0x1d: {  	s27 =	simm.s32 $execute0_lowered;
	[smem:$0x3FD2] =	sst s26  }
0x1e: {  	s5 =	sshll.u32 s27, $0x1;
	_ =	strace $0x80000046;
	[dreg:$0x1] =	wrdreg $0xFFFFFFFF  }
0x1f: {  	s28 =	simm.s32 $_size_execute0_lowered;
	s3 =	sadd.s32 s3, s5;
	[dreg:$0x0] =	wrdreg $0x0  }
0x20: {  	s5 =	sshll.u32 s28, $0x1;
	[dreg:$0x2] =	wrdreg s3  }
0x21: {  	[dreg:$0x3] =	wrdreg s5  }
0x22: {  	[dreg:$0x4] =	wrdreg $0xC0  }
0x23: {  	_ =	task [dreg:s7], $0x5FFFF  }
0x24: {  	[dreg:$0x1] =	wrdreg $0xFFFFFFFF  }
0x25: {  	[dreg:$0x0] =	wrdreg $0x60  }
0x26: {  	[dreg:$0x2] =	wrdreg s2  }
0x27: {  	[dreg:$0x3] =	wrdreg s25  }
0x28: {  	[dreg:$0x4] =	wrdreg $0x9  }
0x29: {  	_ =	task.clear_ibuf [dreg:s7], $0x5FFFF;
	_ =	strace $0x90000046  }
0x2a: {  	s29 =	simm.s32 $0x9;
	_ =	strace $0x80000048  }
0x2b: {  	_ =	swait.ge [sflag:s29], $0x1  }
0x2c: {  	[sflag:s29] =	ssyncadd.s32 $0xFFFFFFFF  }
0x2d: {  	_ =	strace $0x90000048  }
0x2e: {  	_ =	sfence  }
0x2f: {  	s30 =	sld [smem:$0x0];
	_ =	sdelay $0x2  }
0x30: {  	s31 =	sshll.u32 s1, $0xD;
	s1 =	sshrl.u32 s1, $0x2  }
0x31: {  	s3 =	sand.u32 $0x4000, s31;
	s1 =	sadd.s32 s1, s30  }
0x32: {  	s0 =	sor.u32 s3, s0;
	s1 =	sshll.u32 s1, $0x11  }
0x33: {  	s0 =	sor.u32 s1, s0  }
0x34: {  	s0 =	sadd.s32 $0x8F2B, s0  }
0x35: {  	[sflag:s0] =	ssyncadd.remote.s32 $0x1  }
0x36: {  	_ =	sfence.sel $0xFFFF  }
0x37: {  	[dreg:$0x0] =	wrdreg $0xFFFFFFFF;
	(pc) =	sbr.abs _section_cstart, $3  }
0x38: {  	[dreg:$0x1] =	wrdreg $0xFFFFFFFF  }
0x39: {  	_ =	task.clear_ibuf [dreg:s7], $0x2FFFF;
	_ =	strace $0x9FFFFFFF  }
0x3a: {  	(tm) =	ssettm $0x7FFFFFFF  }
0x3b: {  	_ =	shalt  }
tec
execute0_lowered:
.L_overlay_start_1:
0x0: {  	(tag) =	ssettag $0x1  }
0x1: {  	s0 =	srdreg.scid  }
0x2: {  	s1 =	sshll.u32 s0, $0x4  }
0x3: {  	s2 =	rddreg [dreg:$0x0];
	s0 =	stileid.u32;
	s1 =	sand.u32 $0x10, s1  }
0x4: {  	s4 =	rddreg [dreg:$0x1];
	s7 =	simm.s32 $0x1;
	s1 =	sor.u32 s0, s1  }
0x5: {  	s8 =	simm.s32 $0x2;
	s9 =	simm.s32 $0x0;
	s3 =	sshll.u32 s1, $0x1  }
0x6: {  	s12 =	simm.s32 $0x0;
	s11 =	simm.s32 $0x0;
	s6 =	ssub.s32 $0x400, s3  }
.Ltmp0:
0x7: {  	s4 =	sadd.s32 $0x800, s4;
	s5 =	sand.u32 $0x3E, s6;
	(pc) =	sbr.rel .LBB1_1-.Ltmp0, $4  }
0x8: {  	s1 =	rddreg [dreg:$0x2];
	_ =	strace $0x80000047;
	p0 =	sne.s32 s5, $0x0  }
0x9: {  	s6 =	sshrl.u32 s6, $0x6;
	s5 =	simm.s32 $0x1;
	s7 =	simm.s32 @!p0 $0x0  }
0xa: {  	s10 =	smov.u32 s3;
	[sflag:s5] =	ssyncpa.u1 $0x0;
	s6 =	sadd.s32 s7, s6  }
0xb: {  	[sflag:s8] =	ssyncpa.u1 $0x0;
	s8 =	simm.s32 $0x0;
	s7 =	sadd.s32 $0x1, s6  }
.LBB1_9:
0xc: {  	s14 =	sadd.s32 $0x40, s10  }
0xd: {  	p1 =	sgt.s32 s14, $0x3FF  }
0xe: {  	s14 =	smov.u32 @p1 s3;
	p1 =	sne.s32 s11, s7  }
.Ltmp1:
0xf: {  	p0 =	slt.u32 s11, $0x2;
	(pc) =	sbr.rel @!p1 .LBB1_10-.Ltmp1, $4  }
0x10: {  	s13 =	simm.s32 @!p0 $0x2  }
0x11: {  	s15 =	sadd.s32 $0x1, s11;
	_ =	swait.ge @!p0 [sflag:s13], $0x4000  }
0x12: {  	s12 =	smov.u32 s10;
	s9 =	sadd.s32 $0x4000, s9;
	[sflag:s13] =	ssyncset.done @!p0 $0x0  }
0x13: {  	s11 =	smov.u32 s15;
	s10 =	smov.u32 s14;
	[sflag:s13] =	ssyncadd.s32 @!p0 $0xFFFFC000  }
.LBB1_1:
0x14: {  	p0 =	sge.u32 s11, s6  }
0x15: {  	s13 =	sxor.u32 @!p0 $0xFFFFFFFF, s11  }
0x16: {  	s31 =	sadd.s32 $0xFFFFFFFF, s11;
	s14 =	sshll.u32 @!p0 s10, $0xA;
	s13 =	sshll.u32 @!p0 s13, $0xE  }
0x17: {  	s15 =	simm.s32 @!p0 $0x0;
	s14 =	sadd.s32 @!p0 s2, s14;
	s13 =	sand.u32 @!p0 $0x4000, s13  }
0x18: {  	[tilespmem:s13], [sflag:$0x1] =	stream.linear.gather @!p0 [hbm4b:s14+s15], $0x4000, $0x38;
	[tilespmem:$0x10000] =	vst v63  }
0x19: {  	p0 =	sge.u32 s31, s6  }
.Ltmp2:
0x1a: {  	_ = 	snop;
	(pc) =	sbr.rel @p0 .LBB1_9-.Ltmp2, $1  }
0x1b: {  	_ =	sdelay $0x3  }
0x1c: {  	s13 =	sshll.u32 s9, $0x2  }
0x1d: {  	_ =	swait.ge [sflag:s5], $0x4000;
	s14 =	sshll.u32 s11, $0xE;
	s16 =	simm.s32 $0x0  }
0x1e: {  	p1 =	por $0x1, $0x1;
	s13 =	sand.u32 $0x10000, s13;
	[sflag:s5] =	ssyncset.done $0x0  }
0x1f: {  	s14 =	sand.u32 $0x4000, s14;
	s15 =	sshrl.u32 s13, $0x2;
	[sflag:s5] =	ssyncadd.s32 $0xFFFFC000  }
0x20: {  	s13 =	sor.u32 $0x8000, s14;
	s14 =	sadd.s32 $0x8040, s15;
	s15 =	sadd.s32 $0x40, s15  }
.LBB1_3:
0x21: {  	s16 =	sshll.u32 s16, $0x2  }
0x22: {  	p0 =	por p1, p1;
	s17 =	sshra.s32 s16, $0x2  }
0x23: {  	s18 =	simm.s32 $0x0;
	s16 =	sadd.s32 s17, s14;
	s17 =	sadd.s32 s17, s15  }
.LBB1_4:
0x24: {  	v0 =	vmov s17;
	_ =	sdelay $0x3  }
0x25: {  	s20 =	simm.s32 $0x0  }
0x26: {  	v6 =	vld.idx.msk [tilespmem:v0+s20+$0x30 ss:$0x1], $0xffff  }
0x27: {  	v7 =	vld.idx.msk [tilespmem:v0+s20+$0xFFFFFFC0 ss:$0x1], $0xffff  }
0x28: {  	v5 =	vld.idx.msk [tilespmem:v0+s20+$0xFFFFFFD0 ss:$0x1], $0xffff  }
0x29: {  	v4 =	vld.idx.msk [tilespmem:v0+s20+$0xFFFFFFE0 ss:$0x1], $0xffff  }
0x2a: {  	v3 =	vld.idx.msk [tilespmem:v0+s20+$0xFFFFFFF0 ss:$0x1], $0xffff  }
0x2b: {  	v1 =	vld.idx.msk [tilespmem:v0+s20+$0x0 ss:$0x1], $0xffff  }
0x2c: {  	v2 =	vld.idx.msk [tilespmem:v0+s20+$0x10 ss:$0x1], $0xffff;
	[tilespmem:s16+$0x30] =	vst v6  }
0x2d: {  	s19 =	simm.s32 $0x80;
	s21 =	simm.s32 $0x400;
	[tilespmem:s16+$0xFFFFFFC0] =	vst v7;
	v6 =	vld.idx.msk [tilespmem:v0+s20+$0x20 ss:$0x1], $0xffff;
	s20 =	smov.u32 s16  }
.LBB1_5:
0x2e: {  	p1 =	sne.s32 s21, $0xE00;
	v7 =	vld.idx.msk [tilespmem:v0+s19+$0x30 ss:$0x1], $0xffff;
	[tilespmem:s20+$0xFFFFFFD0] =	vst v5  }
0x2f: {  	v8 =	vld.idx.msk [tilespmem:v0+s19+$0xFFFFFFC0 ss:$0x1], $0xffff;
	[tilespmem:s20+$0xFFFFFFE0] =	vst v4  }
0x30: {  	v5 =	vld.idx.msk [tilespmem:v0+s19+$0xFFFFFFD0 ss:$0x1], $0xffff;
	[tilespmem:s20+$0xFFFFFFF0] =	vst v3  }
.Ltmp3:
0x31: {  	v4 =	vld.idx.msk [tilespmem:v0+s19+$0xFFFFFFE0 ss:$0x1], $0xffff;
	[tilespmem:s20+$0x0] =	vst v1;
	(pc) =	sbr.rel @p1 .LBB1_5-.Ltmp3, $4  }
0x32: {  	v3 =	vld.idx.msk [tilespmem:v0+s19+$0xFFFFFFF0 ss:$0x1], $0xffff;
	[tilespmem:s20+$0x10] =	vst v2  }
0x33: {  	v1 =	vld.idx.msk [tilespmem:v0+s19+$0x0 ss:$0x1], $0xffff;
	[tilespmem:s20+$0x20] =	vst v6;
	s20 =	sadd.s32 $0x400, s20  }
0x34: {  	v2 =	vld.idx.msk [tilespmem:v0+s19+$0x10 ss:$0x1], $0xffff;
	[tilespmem:s20+$0x30] =	vst v7  }
0x35: {  	[tilespmem:s20+$0xFFFFFFC0] =	vst v8;
	v6 =	vld.idx.msk [tilespmem:v0+s19+$0x20 ss:$0x1], $0xffff;
	s19 =	sshra.s32 s21, $0x2;
	s21 =	sadd.s32 $0x200, s21  }
0x36: {  	_ =	sdelay $0x2  }
0x37: {  	[tilespmem:s20+$0xFFFFFFD0] =	vst v5  }
0x38: {  	v56 =	vld.idx.msk [tilespmem:v0+s19+$0x30 ss:$0x1], $0xffff;
	[tilespmem:s20+$0xFFFFFFE0] =	vst v4  }
0x39: {  	v57 =	vld.idx.msk [tilespmem:v0+s19+$0xFFFFFFC0 ss:$0x1], $0xffff;
	[tilespmem:s20+$0xFFFFFFF0] =	vst v3  }
0x3a: {  	v58 =	vld.idx.msk [tilespmem:v0+s19+$0xFFFFFFD0 ss:$0x1], $0xffff;
	[tilespmem:s20+$0x0] =	vst v1  }
0x3b: {  	v59 =	vld.idx.msk [tilespmem:v0+s19+$0xFFFFFFE0 ss:$0x1], $0xffff;
	[tilespmem:s20+$0x10] =	vst v2  }
0x3c: {  	v60 =	vld.idx.msk [tilespmem:v0+s19+$0xFFFFFFF0 ss:$0x1], $0xffff;
	s31 =	sadd.s32 $0x400, s20;
	[tilespmem:s20+$0x20] =	vst v6  }
0x3d: {  	v61 =	vld.idx.msk [tilespmem:v0+s19+$0x0 ss:$0x1], $0xffff;
	[tilespmem:s31+$0x30] =	vst v56  }
0x3e: {  	v62 =	vld.idx.msk [tilespmem:v0+s19+$0x10 ss:$0x1], $0xffff;
	s18 =	sadd.s32 $0x1, s18;
	[tilespmem:s31+$0xFFFFFFC0] =	vst v57  }
0x3f: {  	v63 =	vld.idx.msk [tilespmem:v0+s19+$0x20 ss:$0x1], $0xffff;
	p1 =	sne.s32 s18, $0x8;
	[tilespmem:s31+$0xFFFFFFD0] =	vst v58  }
.Ltmp4:
0x40: {  	[tilespmem:s31+$0xFFFFFFE0] =	vst v59;
	(pc) =	sbr.rel @p1 .LBB1_4-.Ltmp4, $4  }
0x41: {  	[tilespmem:s31+$0xFFFFFFF0] =	vst v60  }
0x42: {  	[tilespmem:s31+$0x0] =	vst v61  }
0x43: {  	[tilespmem:s31+$0x10] =	vst v62  }
0x44: {  	s16 =	sadd.s32 $0x80, s16;
	s17 =	sadd.s32 $0x400, s17;
	[tilespmem:s31+$0x20] =	vst v63  }
.Ltmp5:
0x45: {  	(pc) =	sbr.rel @p0 .LBB1_3-.Ltmp5, $2  }
0x46: {  	_ =	sdelay $0x2  }
0x47: {  	s16 =	simm.s32 $0x2000;
	p1 =	por $0x0, $0x0  }
.Ltmp6:
0x48: {  	(pc) =	sbr.rel .LBB1_9-.Ltmp6, $4  }
0x49: {  	_ = 	snop  }
0x4a: {  	s12 =	sshll.u32 s12, $0xA  }
0x4b: {  	s12 =	sadd.s32 s4, s12  }
0x4c: {  	[hbm4b:s12+s8] =	stream.linear.scatter [tilespmem:s13], [sflag:$0x2], $0x4000, $0x38;
	[tilespmem:$0x10000] =	vst v63  }
.LBB1_10:
0x4d: {  	_ =	sfence.sel $0x180000  }
0x4e: {  	s2 =	simm.s32 $0x1;
	[bflag:$0x0] =	sbarrier.arrive $0xFFFF  }
0x4f: {  	s31 =	simm.s32 $0x2;
	[sflag:s2] =	ssyncpa.u1 $0x1  }
0x50: {  	[sflag:s31] =	ssyncpa.u1 $0x1  }
0x51: {  	p0 =	sne.s32 s0, $0x0;
	_ =	strace $0x90000047  }
0x52: {  	s0 =	sadd.s32 @!p0 $0x100000, s1;
	[bflag:$0x2] =	sbarrier.arrive $0xFFFF  }
0x53: {  	[sflag:s0] =	ssyncadd.tile.s32 @!p0 $0x1;
	_ =	shalt  }
.Lfunc_end1:
_tile_overlayer_lowered:
.L_overlay_start_2:
0x54: {  	(tag) =	ssettag $0x2  }
0x55: {  	s0 =	rddreg [dreg:$0x0];
	s2 =	stileid.u32  }
0x56: {  	s1 =	rddreg [dreg:$0x1];
	p0 =	sne.s32 s2, $0x0  }
0x57: {  	s3 =	rddreg [dreg:$0x2];
	[bflag:$0x3] =	sbarrier.arrive $0xFFFF;
	s2 =	simm.s32 @!p0 $0x1C01  }
0x58: {  	[timem:s3], [sflag:s2] =	dma.local @!p0 [hbm:s0], s1  }
0x59: {  	s0 =	simm.s32 @!p0 $0x1  }
0x5a: {  	_ =	swait.ge @!p0 [sflag:s0], s1  }
0x5b: {  	s1 =	ssub.s32 @!p0 $0x0, s1;
	[sflag:s0] =	ssyncset.done @!p0 $0x0  }
0x5c: {  	[sflag:s0] =	ssyncadd.s32 @!p0 s1  }
0x5d: {  	[bflag:$0x3] =	sbarrier.arrive $0xFFFF  }
0x5e: {  	_ =	shalt  }

</sc_bundles>
